<compile_context>
chip_gen: v7x
topology: tpu7x:2x2x1
jax: 0.10.2.dev20260603
libtpu: 0.0.44.dev20260713+nightly
codegen_flags: <defaults>
</compile_context>

<pallas_src>
import functools

import jax
import jax.numpy as jnp
from jax import lax
from jax.experimental import pallas as pl
from jax.experimental.pallas import tpu as pltpu
from jax.experimental.pallas import tpu_sc as plsc

N = 10000
NNZ = 320000
D = 128
NC, NS = 2, 16
NW = NC * NS
K = 128
NCHUNK = 80
NNZP = NW * NCHUNK * K
NP = 10112
SP = NP // NS
SPT = SP - 4 * K


def _sc_agg(gidx2d, sidx2d, table, zblk):

    @functools.partial(
        pl.kernel,
        out_type=jax.ShapeDtypeStruct((2 * NP, D), jnp.float32),
        mesh=plsc.VectorSubcoreMesh(core_axis_name="c", subcore_axis_name="s"),
        scratch_types=[
            pltpu.VMEM((K,), jnp.int32),
            pltpu.VMEM((K,), jnp.int32),
            pltpu.VMEM((K, D), jnp.float32),
            pltpu.VMEM_SHARED((NP, D), jnp.float32),
            pltpu.SemaphoreType.DMA,
        ],
    )
    def agg(gidx_hbm, sidx_hbm, table_hbm, z_hbm, out_hbm,
            gi_v, si_v, rows_v, acc_sh, sem):
        c = lax.axis_index("c")
        s = lax.axis_index("s")
        wid = c * NS + s
        for t in range(4):
            pltpu.sync_copy(z_hbm, acc_sh.at[pl.ds(s * SP + t * K, K)])
        pltpu.sync_copy(z_hbm.at[pl.ds(0, SPT)],
                        acc_sh.at[pl.ds(s * SP + 4 * K, SPT)])
        plsc.subcore_barrier()

        def body(j, carry):
            pltpu.sync_copy(gidx_hbm.at[wid * NCHUNK + j], gi_v)
            pltpu.sync_copy(sidx_hbm.at[wid * NCHUNK + j], si_v)
            pltpu.async_copy(table_hbm.at[gi_v], rows_v, sem).wait()
            pltpu.sync_copy(rows_v, acc_sh.at[si_v], add=True)
            return carry

        lax.fori_loop(0, NCHUNK, body, 0)
        plsc.subcore_barrier()
        for t in range(4):
            r0 = s * SP + t * K
            pltpu.sync_copy(acc_sh.at[pl.ds(r0, K)], rows_v)
            pltpu.sync_copy(rows_v, out_hbm.at[pl.ds(c * NP + r0, K)])
        r0 = s * SP + 4 * K
        pltpu.sync_copy(acc_sh.at[pl.ds(r0, SPT)], rows_v.at[pl.ds(0, SPT)])
        pltpu.sync_copy(rows_v.at[pl.ds(0, SPT)],
                        out_hbm.at[pl.ds(c * NP + r0, SPT)])

    return agg(gidx2d, sidx2d, table, zblk)


_RB = 1000
_RBI = 632


def _tc_invp(pv):
    def body(p_ref, o_ref):
        o_ref[...] = 1.0 / jnp.maximum(p_ref[0] + p_ref[1], 1.0)

    return pl.pallas_call(
        body,
        grid=(NP // _RBI,),
        in_specs=[pl.BlockSpec((2, _RBI, D), lambda i: (0, i, 0))],
        out_specs=pl.BlockSpec((_RBI, D), lambda i: (i, 0)),
        out_shape=jax.ShapeDtypeStruct((NP, D), jnp.float32),
    )(pv)


def _tc_matmul(x, w):
    def body(x_ref, w_ref, o_ref):
        o_ref[...] = lax.dot_general(
            x_ref[...], w_ref[...], (((1,), (0,)), ((), ())),
            precision=lax.Precision.HIGHEST,
            preferred_element_type=jnp.float32)

    return pl.pallas_call(
        body,
        grid=(N // _RB,),
        in_specs=[pl.BlockSpec((_RB, D), lambda i: (i, 0)),
                  pl.BlockSpec((D, D), lambda i: (0, 0))],
        out_specs=pl.BlockSpec((_RB, D), lambda i: (i, 0)),
        out_shape=jax.ShapeDtypeStruct((N, D), jnp.float32),
    )(x, w)


def _combine(p_ref, inv_ref):
    q = p_ref[0] + p_ref[1]
    return q * inv_ref[:, 0:1]


def _tc_scale(p2, inv2d):
    def body(p_ref, inv_ref, o_ref):
        o_ref[...] = _combine(p_ref, inv_ref)

    return pl.pallas_call(
        body,
        grid=(N // _RB,),
        in_specs=[pl.BlockSpec((2, _RB, D), lambda i: (0, i, 0)),
                  pl.BlockSpec((_RB, D), lambda i: (i, 0))],
        out_specs=pl.BlockSpec((_RB, D), lambda i: (i, 0)),
        out_shape=jax.ShapeDtypeStruct((N, D), jnp.float32),
    )(p2, inv2d)


def _tc_fuse(p2, inv2d, b, w):
    def body(p_ref, inv_ref, b_ref, w_ref, o_ref):
        h = jnp.maximum(_combine(p_ref, inv_ref) + b_ref[...], 0.0)
        o_ref[...] = lax.dot_general(
            h, w_ref[...], (((1,), (0,)), ((), ())),
            precision=lax.Precision.HIGHEST,
            preferred_element_type=jnp.float32)

    return pl.pallas_call(
        body,
        grid=(N // _RB,),
        in_specs=[pl.BlockSpec((2, _RB, D), lambda i: (0, i, 0)),
                  pl.BlockSpec((_RB, D), lambda i: (i, 0)),
                  pl.BlockSpec((1, D), lambda i: (0, 0)),
                  pl.BlockSpec((D, D), lambda i: (0, 0))],
        out_specs=pl.BlockSpec((_RB, D), lambda i: (i, 0)),
        out_shape=jax.ShapeDtypeStruct((N, D), jnp.float32),
    )(p2, inv2d, b, w)


def _tc_final(p2, inv2d, b):
    def body(p_ref, inv_ref, b_ref, o_ref):
        o_ref[...] = _combine(p_ref, inv_ref) + b_ref[...]

    return pl.pallas_call(
        body,
        grid=(N // _RB,),
        in_specs=[pl.BlockSpec((2, _RB, D), lambda i: (0, i, 0)),
                  pl.BlockSpec((_RB, D), lambda i: (i, 0)),
                  pl.BlockSpec((1, D), lambda i: (0, 0))],
        out_specs=pl.BlockSpec((_RB, D), lambda i: (i, 0)),
        out_shape=jax.ShapeDtypeStruct((N, D), jnp.float32),
    )(p2, inv2d, b)


def kernel(x, edge_index, hyperedge_index, W1, b1, W2, b2):
    del edge_index
    node = hyperedge_index[0]
    he = hyperedge_index[1]
    npad = NNZP - NNZ
    pad_g = jnp.zeros((npad,), jnp.int32)
    pad_s = jnp.full((npad,), N, jnp.int32)
    node_g = jnp.concatenate([node, pad_g]).reshape(NW * NCHUNK, K)
    node_s = jnp.concatenate([node, pad_s]).reshape(NW * NCHUNK, K)
    he_g = jnp.concatenate([he, pad_g]).reshape(NW * NCHUNK, K)
    he_s = jnp.concatenate([he, pad_s]).reshape(NW * NCHUNK, K)
    zblk = jnp.zeros((K, D), jnp.float32)
    b1r = b1.reshape(1, D)
    b2r = b2.reshape(1, D)
    gstack = jnp.stack([node_g, he_g])
    sstack = jnp.stack([he_s, node_s])

    table0 = _tc_matmul(x, W1)
    ones_tab = jnp.ones((N, D), jnp.float32)
    invs0 = jnp.zeros((2, NP, D), jnp.float32)

    def step(t, carry):
        table, invs = carry
        p = t % 2
        g2d = lax.dynamic_index_in_dim(gstack, p, 0, keepdims=False)
        s2d = lax.dynamic_index_in_dim(sstack, p, 0, keepdims=False)
        pv = _sc_agg(g2d, s2d, table, zblk).reshape(2, NP, D)
        return lax.switch(
            t,
            (lambda tb, iv, q: (tb, iv.at[0].set(_tc_invp(q))),
             lambda tb, iv, q: (table0, iv.at[1].set(_tc_invp(q))),
             lambda tb, iv, q: (_tc_scale(q, iv[0]), iv),
             lambda tb, iv, q: (_tc_fuse(q, iv[1], b1r, W2), iv),
             lambda tb, iv, q: (_tc_scale(q, iv[0]), iv),
             lambda tb, iv, q: (_tc_final(q, iv[1], b2r), iv)),
            table, invs, pv)

    out, _ = lax.fori_loop(0, 6, step, (ones_tab, invs0))
    return out

# --- scband reference (transcript-rebuilt; emitter-appended) ---
"""Pipeline reference for scband-hgnnencoder-85074712199280 (READ-ONLY COPY).

The authoritative reference and input builder live on the scoring server;
editing this copy changes nothing except your own understanding.
"""

import jax, jax.numpy as jnp
import numpy as np

N_NODES = 10000
N_HEDGES = 10000
NNZ = 320000
D_IN = 128
D_HID = 128
D_OUT = 128


def setup_inputs(seed: int = 0) -> dict:
    key = jax.random.key(seed)
    k1, k2, k3, k4, k5, k6, k7 = jax.random.split(key, 7)
    x = jax.random.normal(k1, (N_NODES, D_IN), dtype=jnp.float32)
    edge_index = jax.random.randint(k2, (2, NNZ), 0, N_NODES, dtype=jnp.int32)
    hyperedge_index = jax.random.randint(k3, (2, NNZ), 0, N_HEDGES, dtype=jnp.int32)
    W1 = jax.random.normal(k4, (D_IN, D_HID), dtype=jnp.float32) * 0.05
    b1 = jnp.zeros((D_HID,), dtype=jnp.float32)
    W2 = jax.random.normal(k5, (D_HID, D_OUT), dtype=jnp.float32) * 0.05
    b2 = jnp.zeros((D_OUT,), dtype=jnp.float32)
    return {"x": x, "edge_index": edge_index, "hyperedge_index": hyperedge_index,
            "W1": W1, "b1": b1, "W2": W2, "b2": b2}


def _hypergraph_conv(x, hyperedge_index, W, b):
    # PyG HypergraphConv (heads=1, use_attention=False, hyperedge_weight=1):
    # out = D^{-1} H B^{-1} H^T (X Theta) + bias
    node = hyperedge_index[0]
    he = hyperedge_index[1]
    xw = x @ W
    ones = jnp.ones((NNZ,), dtype=jnp.float32)
    D = jax.ops.segment_sum(ones, node, num_segments=N_NODES)
    Dinv = jnp.where(D > 0, 1.0 / D, 0.0)
    B = jax.ops.segment_sum(ones, he, num_segments=N_HEDGES)
    Binv = jnp.where(B > 0, 1.0 / B, 0.0)
    # node -> hyperedge aggregation: out_e = B_e^{-1} * sum_{v in e} (X Theta)_v
    m1 = Binv[he][:, None] * jnp.take(xw, node, axis=0)
    out_e = jax.ops.segment_sum(m1, he, num_segments=N_HEDGES)
    # hyperedge -> node aggregation: out_v = D_v^{-1} * sum_{e ni v} out_e
    m2 = Dinv[node][:, None] * jnp.take(out_e, he, axis=0)
    out_v = jax.ops.segment_sum(m2, node, num_segments=N_NODES)
    return out_v + b


def reference(x, edge_index, hyperedge_index, W1, b1, W2, b2):
    # edge_index is deleted in the original forward
    del edge_index
    h = _hypergraph_conv(x, hyperedge_index, W1, b1)
    h = jax.nn.relu(h)
    # dropout is identity in eval mode (training=False)
    out = _hypergraph_conv(h, hyperedge_index, W2, b2)
    return out

if __name__ == "__main__":
    import jax
    _d = setup_inputs()
    print(jax.jit(kernel)(*tuple(_d.values())))

</pallas_src>

<mosaic_0001>
#map = affine_map<(d0, d1) -> (0, 0)>
module attributes {stable_mosaic.version = 14 : i64} {
  func.func @agg(%arg0: i32, %arg1: i32, %arg2: memref<2560x128xi32, #tpu.memory_space<hbm>>, %arg3: memref<2560x128xi32, #tpu.memory_space<hbm>>, %arg4: memref<10000x128xf32, #tpu.memory_space<hbm>>, %arg5: memref<128x128xf32, #tpu.memory_space<hbm>>, %arg6: memref<20224x128xf32, #tpu.memory_space<hbm>>, %arg7: memref<128xi32, #tpu.memory_space<vmem>>, %arg8: memref<128xi32, #tpu.memory_space<vmem>>, %arg9: memref<128x128xf32, #tpu.memory_space<vmem>>, %arg10: memref<10112x128xf32, #tpu.memory_space<vmem_shared>>, %arg11: memref<!tpu.dma_semaphore, #tpu.memory_space<semaphore_mem>>) attributes {dimension_semantics = [#tpu.dimension_semantics<core_parallel>, #tpu.dimension_semantics<subcore_parallel>], iteration_bounds = array<i64: 2, 16>, scalar_prefetch = 0 : i64, scratch_operands = 5 : i64, tpu.core_type = #tpu.core_type<sc_vector_subcore>, window_params = [{transform_indices = #map}, {transform_indices = #map}, {transform_indices = #map}, {transform_indices = #map}, {transform_indices = #map}]} {
    %mul3A = arith.constant 16 : i32
    %mul3A_0 = arith.muli %arg0, %mul3A : i32
    %add3A = arith.addi %mul3A_0, %arg1 : i32
    %mul3A_1 = arith.constant 632 : i32
    %mul3A_2 = arith.muli %arg1, %mul3A_1 : i32
    %add3A_3 = arith.constant 0 : i32
    %add3A_4 = arith.addi %mul3A_2, %add3A_3 : i32
    "tpu.region"() ({
      %run_scoped3A = tpu.sem_alloc : memref<!tpu.dma_semaphore, #tpu.memory_space<semaphore_mem>>
      %dma_start3A = arith.constant 0 : i32
      %dma_start3A_62 = tpu.memref_slice %arg10[%add3A_4, %dma_start3A] : memref<10112x128xf32, #tpu.memory_space<vmem_shared>> -> memref<128x128xf32, #tpu.memory_space<vmem_shared>>
      tpu.enqueue_dma source(%arg5 : memref<128x128xf32, #tpu.memory_space<hbm>>) target(%dma_start3A_62 : memref<128x128xf32, #tpu.memory_space<vmem_shared>>) target_semaphore(%run_scoped3A : memref<!tpu.dma_semaphore, #tpu.memory_space<semaphore_mem>>)
      %dma_wait3A = arith.constant 0 : i32
      %dma_wait3A_63 = tpu.memref_slice %arg10[%add3A_4, %dma_wait3A] : memref<10112x128xf32, #tpu.memory_space<vmem_shared>> -> memref<128x128xf32, #tpu.memory_space<vmem_shared>>
      tpu.wait_dma2 semaphore(%run_scoped3A : memref<!tpu.dma_semaphore, #tpu.memory_space<semaphore_mem>>) src(%arg5 : memref<128x128xf32, #tpu.memory_space<hbm>>) dst(%dma_wait3A_63 : memref<128x128xf32, #tpu.memory_space<vmem_shared>>)
      tpu.yield
    }) : () -> ()
    %mul3A_5 = arith.constant 632 : i32
    %mul3A_6 = arith.muli %arg1, %mul3A_5 : i32
    %add3A_7 = arith.constant 128 : i32
    %add3A_8 = arith.addi %mul3A_6, %add3A_7 : i32
    "tpu.region"() ({
      %run_scoped3A = tpu.sem_alloc : memref<!tpu.dma_semaphore, #tpu.memory_space<semaphore_mem>>
      %dma_start3A = arith.constant 0 : i32
      %dma_start3A_62 = tpu.memref_slice %arg10[%add3A_8, %dma_start3A] : memref<10112x128xf32, #tpu.memory_space<vmem_shared>> -> memref<128x128xf32, #tpu.memory_space<vmem_shared>>
      tpu.enqueue_dma source(%arg5 : memref<128x128xf32, #tpu.memory_space<hbm>>) target(%dma_start3A_62 : memref<128x128xf32, #tpu.memory_space<vmem_shared>>) target_semaphore(%run_scoped3A : memref<!tpu.dma_semaphore, #tpu.memory_space<semaphore_mem>>)
      %dma_wait3A = arith.constant 0 : i32
      %dma_wait3A_63 = tpu.memref_slice %arg10[%add3A_8, %dma_wait3A] : memref<10112x128xf32, #tpu.memory_space<vmem_shared>> -> memref<128x128xf32, #tpu.memory_space<vmem_shared>>
      tpu.wait_dma2 semaphore(%run_scoped3A : memref<!tpu.dma_semaphore, #tpu.memory_space<semaphore_mem>>) src(%arg5 : memref<128x128xf32, #tpu.memory_space<hbm>>) dst(%dma_wait3A_63 : memref<128x128xf32, #tpu.memory_space<vmem_shared>>)
      tpu.yield
    }) : () -> ()
    %mul3A_9 = arith.constant 632 : i32
    %mul3A_10 = arith.muli %arg1, %mul3A_9 : i32
    %add3A_11 = arith.constant 256 : i32
    %add3A_12 = arith.addi %mul3A_10, %add3A_11 : i32
    "tpu.region"() ({
      %run_scoped3A = tpu.sem_alloc : memref<!tpu.dma_semaphore, #tpu.memory_space<semaphore_mem>>
      %dma_start3A = arith.constant 0 : i32
      %dma_start3A_62 = tpu.memref_slice %arg10[%add3A_12, %dma_start3A] : memref<10112x128xf32, #tpu.memory_space<vmem_shared>> -> memref<128x128xf32, #tpu.memory_space<vmem_shared>>
      tpu.enqueue_dma source(%arg5 : memref<128x128xf32, #tpu.memory_space<hbm>>) target(%dma_start3A_62 : memref<128x128xf32, #tpu.memory_space<vmem_shared>>) target_semaphore(%run_scoped3A : memref<!tpu.dma_semaphore, #tpu.memory_space<semaphore_mem>>)
      %dma_wait3A = arith.constant 0 : i32
      %dma_wait3A_63 = tpu.memref_slice %arg10[%add3A_12, %dma_wait3A] : memref<10112x128xf32, #tpu.memory_space<vmem_shared>> -> memref<128x128xf32, #tpu.memory_space<vmem_shared>>
      tpu.wait_dma2 semaphore(%run_scoped3A : memref<!tpu.dma_semaphore, #tpu.memory_space<semaphore_mem>>) src(%arg5 : memref<128x128xf32, #tpu.memory_space<hbm>>) dst(%dma_wait3A_63 : memref<128x128xf32, #tpu.memory_space<vmem_shared>>)
      tpu.yield
    }) : () -> ()
    %mul3A_13 = arith.constant 632 : i32
    %mul3A_14 = arith.muli %arg1, %mul3A_13 : i32
    %add3A_15 = arith.constant 384 : i32
    %add3A_16 = arith.addi %mul3A_14, %add3A_15 : i32
    "tpu.region"() ({
      %run_scoped3A = tpu.sem_alloc : memref<!tpu.dma_semaphore, #tpu.memory_space<semaphore_mem>>
      %dma_start3A = arith.constant 0 : i32
      %dma_start3A_62 = tpu.memref_slice %arg10[%add3A_16, %dma_start3A] : memref<10112x128xf32, #tpu.memory_space<vmem_shared>> -> memref<128x128xf32, #tpu.memory_space<vmem_shared>>
      tpu.enqueue_dma source(%arg5 : memref<128x128xf32, #tpu.memory_space<hbm>>) target(%dma_start3A_62 : memref<128x128xf32, #tpu.memory_space<vmem_shared>>) target_semaphore(%run_scoped3A : memref<!tpu.dma_semaphore, #tpu.memory_space<semaphore_mem>>)
      %dma_wait3A = arith.constant 0 : i32
      %dma_wait3A_63 = tpu.memref_slice %arg10[%add3A_16, %dma_wait3A] : memref<10112x128xf32, #tpu.memory_space<vmem_shared>> -> memref<128x128xf32, #tpu.memory_space<vmem_shared>>
      tpu.wait_dma2 semaphore(%run_scoped3A : memref<!tpu.dma_semaphore, #tpu.memory_space<semaphore_mem>>) src(%arg5 : memref<128x128xf32, #tpu.memory_space<hbm>>) dst(%dma_wait3A_63 : memref<128x128xf32, #tpu.memory_space<vmem_shared>>)
      tpu.yield
    }) : () -> ()
    %mul3A_17 = arith.constant 632 : i32
    %mul3A_18 = arith.muli %arg1, %mul3A_17 : i32
    %add3A_19 = arith.constant 512 : i32
    %add3A_20 = arith.addi %mul3A_18, %add3A_19 : i32
    "tpu.region"() ({
      %run_scoped3A = tpu.sem_alloc : memref<!tpu.dma_semaphore, #tpu.memory_space<semaphore_mem>>
      %dma_start3A = arith.constant 0 : i32
      %dma_start3A_62 = tpu.memref_slice %arg10[%add3A_20, %dma_start3A] : memref<10112x128xf32, #tpu.memory_space<vmem_shared>> -> memref<120x128xf32, #tpu.memory_space<vmem_shared>>
      %dma_start3A_63 = arith.constant 0 : i32
      %dma_start3A_64 = arith.constant 0 : i32
      %dma_start3A_65 = tpu.memref_slice %arg5[%dma_start3A_63, %dma_start3A_64] : memref<128x128xf32, #tpu.memory_space<hbm>> -> memref<120x128xf32, #tpu.memory_space<hbm>>
      tpu.enqueue_dma source(%dma_start3A_65 : memref<120x128xf32, #tpu.memory_space<hbm>>) target(%dma_start3A_62 : memref<120x128xf32, #tpu.memory_space<vmem_shared>>) target_semaphore(%run_scoped3A : memref<!tpu.dma_semaphore, #tpu.memory_space<semaphore_mem>>)
      %dma_wait3A = arith.constant 0 : i32
      %dma_wait3A_66 = tpu.memref_slice %arg10[%add3A_20, %dma_wait3A] : memref<10112x128xf32, #tpu.memory_space<vmem_shared>> -> memref<120x128xf32, #tpu.memory_space<vmem_shared>>
      %dma_wait3A_67 = arith.constant 0 : i32
      %dma_wait3A_68 = arith.constant 0 : i32
      %dma_wait3A_69 = tpu.memref_slice %arg5[%dma_wait3A_67, %dma_wait3A_68] : memref<128x128xf32, #tpu.memory_space<hbm>> -> memref<120x128xf32, #tpu.memory_space<hbm>>
      tpu.wait_dma2 semaphore(%run_scoped3A : memref<!tpu.dma_semaphore, #tpu.memory_space<semaphore_mem>>) src(%dma_wait3A_69 : memref<120x128xf32, #tpu.memory_space<hbm>>) dst(%dma_wait3A_66 : memref<120x128xf32, #tpu.memory_space<vmem_shared>>)
      tpu.yield
    }) : () -> ()
    %barrier3A = arith.constant 0 : index
    tpu.barrier barrier_id(%barrier3A)
    %scan3A = arith.constant 0 : i32
    %scan3A_21 = arith.constant 0 : i32
    %scan3A_22 = arith.constant 80 : i32
    %scan3A_23 = arith.addi %scan3A_21, %scan3A_22 : i32
    %scan3A_24 = arith.constant 1 : i32
    scf.for %scan3A_62 = %scan3A_21 to %scan3A_23 step %scan3A_24  : i32 {
      %mul3A_63 = arith.constant 80 : i32
      %mul3A_64 = arith.muli %add3A, %mul3A_63 : i32
      %add3A_65 = arith.addi %mul3A_64, %scan3A_62 : i32
      "tpu.region"() ({
        %run_scoped3A = tpu.sem_alloc : memref<!tpu.dma_semaphore, #tpu.memory_space<semaphore_mem>>
        %dma_start3A_73 = arith.constant 0 : i32
        %dma_start3A_74 = tpu.memref_slice %arg2[%add3A_65, %dma_start3A_73] : memref<2560x128xi32, #tpu.memory_space<hbm>> -> memref<1x128xi32, #tpu.memory_space<hbm>>
        %dma_start3A_75 = tpu.memref_squeeze %dma_start3A_74 : memref<1x128xi32, #tpu.memory_space<hbm>> -> memref<128xi32, #tpu.memory_space<hbm>>
        %dma_start3A_76 = arith.constant 0 : i32
        %dma_start3A_77 = tpu.memref_slice %arg2[%add3A_65, %dma_start3A_76] : memref<2560x128xi32, #tpu.memory_space<hbm>> -> memref<1x128xi32, #tpu.memory_space<hbm>>
        %dma_start3A_78 = tpu.memref_squeeze %dma_start3A_77 : memref<1x128xi32, #tpu.memory_space<hbm>> -> memref<128xi32, #tpu.memory_space<hbm>>
        tpu.enqueue_dma source(%dma_start3A_78 : memref<128xi32, #tpu.memory_space<hbm>>) target(%arg7 : memref<128xi32, #tpu.memory_space<vmem>>) target_semaphore(%run_scoped3A : memref<!tpu.dma_semaphore, #tpu.memory_space<semaphore_mem>>)
        %dma_wait3A_79 = arith.constant 0 : i32
        %dma_wait3A_80 = tpu.memref_slice %arg2[%add3A_65, %dma_wait3A_79] : memref<2560x128xi32, #tpu.memory_space<hbm>> -> memref<1x128xi32, #tpu.memory_space<hbm>>
        %dma_wait3A_81 = tpu.memref_squeeze %dma_wait3A_80 : memref<1x128xi32, #tpu.memory_space<hbm>> -> memref<128xi32, #tpu.memory_space<hbm>>
        %dma_wait3A_82 = arith.constant 0 : i32
        %dma_wait3A_83 = tpu.memref_slice %arg2[%add3A_65, %dma_wait3A_82] : memref<2560x128xi32, #tpu.memory_space<hbm>> -> memref<1x128xi32, #tpu.memory_space<hbm>>
        %dma_wait3A_84 = tpu.memref_squeeze %dma_wait3A_83 : memref<1x128xi32, #tpu.memory_space<hbm>> -> memref<128xi32, #tpu.memory_space<hbm>>
        tpu.wait_dma2 semaphore(%run_scoped3A : memref<!tpu.dma_semaphore, #tpu.memory_space<semaphore_mem>>) src(%dma_wait3A_84 : memref<128xi32, #tpu.memory_space<hbm>>) dst(%arg7 : memref<128xi32, #tpu.memory_space<vmem>>)
        tpu.yield
      }) : () -> ()
      %mul3A_66 = arith.constant 80 : i32
      %mul3A_67 = arith.muli %add3A, %mul3A_66 : i32
      %add3A_68 = arith.addi %mul3A_67, %scan3A_62 : i32
      "tpu.region"() ({
        %run_scoped3A = tpu.sem_alloc : memref<!tpu.dma_semaphore, #tpu.memory_space<semaphore_mem>>
        %dma_start3A_73 = arith.constant 0 : i32
        %dma_start3A_74 = tpu.memref_slice %arg3[%add3A_68, %dma_start3A_73] : memref<2560x128xi32, #tpu.memory_space<hbm>> -> memref<1x128xi32, #tpu.memory_space<hbm>>
        %dma_start3A_75 = tpu.memref_squeeze %dma_start3A_74 : memref<1x128xi32, #tpu.memory_space<hbm>> -> memref<128xi32, #tpu.memory_space<hbm>>
        %dma_start3A_76 = arith.constant 0 : i32
        %dma_start3A_77 = tpu.memref_slice %arg3[%add3A_68, %dma_start3A_76] : memref<2560x128xi32, #tpu.memory_space<hbm>> -> memref<1x128xi32, #tpu.memory_space<hbm>>
        %dma_start3A_78 = tpu.memref_squeeze %dma_start3A_77 : memref<1x128xi32, #tpu.memory_space<hbm>> -> memref<128xi32, #tpu.memory_space<hbm>>
        tpu.enqueue_dma source(%dma_start3A_78 : memref<128xi32, #tpu.memory_space<hbm>>) target(%arg8 : memref<128xi32, #tpu.memory_space<vmem>>) target_semaphore(%run_scoped3A : memref<!tpu.dma_semaphore, #tpu.memory_space<semaphore_mem>>)
        %dma_wait3A_79 = arith.constant 0 : i32
        %dma_wait3A_80 = tpu.memref_slice %arg3[%add3A_68, %dma_wait3A_79] : memref<2560x128xi32, #tpu.memory_space<hbm>> -> memref<1x128xi32, #tpu.memory_space<hbm>>
        %dma_wait3A_81 = tpu.memref_squeeze %dma_wait3A_80 : memref<1x128xi32, #tpu.memory_space<hbm>> -> memref<128xi32, #tpu.memory_space<hbm>>
        %dma_wait3A_82 = arith.constant 0 : i32
        %dma_wait3A_83 = tpu.memref_slice %arg3[%add3A_68, %dma_wait3A_82] : memref<2560x128xi32, #tpu.memory_space<hbm>> -> memref<1x128xi32, #tpu.memory_space<hbm>>
        %dma_wait3A_84 = tpu.memref_squeeze %dma_wait3A_83 : memref<1x128xi32, #tpu.memory_space<hbm>> -> memref<128xi32, #tpu.memory_space<hbm>>
        tpu.wait_dma2 semaphore(%run_scoped3A : memref<!tpu.dma_semaphore, #tpu.memory_space<semaphore_mem>>) src(%dma_wait3A_84 : memref<128xi32, #tpu.memory_space<hbm>>) dst(%arg8 : memref<128xi32, #tpu.memory_space<vmem>>)
        tpu.yield
      }) : () -> ()
      %dma_start3A = arith.constant 0 : i32
      %dma_start3A_69 = arith.constant 0 : i32
      %dma_start3A_70 = tpu.memref_slice %arg4[%dma_start3A, %dma_start3A_69] : memref<10000x128xf32, #tpu.memory_space<hbm>> -> memref<10000x128xf32, #tpu.memory_space<hbm>>
      tpu.enqueue_indirect_dma source(%dma_start3A_70 : memref<10000x128xf32, #tpu.memory_space<hbm>>) target(%arg9 : memref<128x128xf32, #tpu.memory_space<vmem>>) offsets(%arg7 : memref<128xi32, #tpu.memory_space<vmem>>) semaphore(%arg11 : memref<!tpu.dma_semaphore, #tpu.memory_space<semaphore_mem>>)
      %dma_wait3A = arith.constant 0 : i32
      %dma_wait3A_71 = arith.constant 0 : i32
      %dma_wait3A_72 = tpu.memref_slice %arg4[%dma_wait3A, %dma_wait3A_71] : memref<10000x128xf32, #tpu.memory_space<hbm>> -> memref<10000x128xf32, #tpu.memory_space<hbm>>
      tpu.wait_indirect_dma semaphore(%arg11 : memref<!tpu.dma_semaphore, #tpu.memory_space<semaphore_mem>>) src(%dma_wait3A_72 : memref<10000x128xf32, #tpu.memory_space<hbm>>) dst(%arg9 : memref<128x128xf32, #tpu.memory_space<vmem>>)
      "tpu.region"() ({
        %run_scoped3A = tpu.sem_alloc : memref<!tpu.dma_semaphore, #tpu.memory_space<semaphore_mem>>
        %dma_start3A_73 = arith.constant 0 : i32
        %dma_start3A_74 = arith.constant 0 : i32
        %dma_start3A_75 = tpu.memref_slice %arg10[%dma_start3A_73, %dma_start3A_74] : memref<10112x128xf32, #tpu.memory_space<vmem_shared>> -> memref<10112x128xf32, #tpu.memory_space<vmem_shared>>
        tpu.enqueue_indirect_dma source(%arg9 : memref<128x128xf32, #tpu.memory_space<vmem>>) target(%dma_start3A_75 : memref<10112x128xf32, #tpu.memory_space<vmem_shared>>) offsets(%arg8 : memref<128xi32, #tpu.memory_space<vmem>>) semaphore(%run_scoped3A : memref<!tpu.dma_semaphore, #tpu.memory_space<semaphore_mem>>) {add = true}
        %dma_wait3A_76 = arith.constant 0 : i32
        %dma_wait3A_77 = arith.constant 0 : i32
        %dma_wait3A_78 = tpu.memref_slice %arg10[%dma_wait3A_76, %dma_wait3A_77] : memref<10112x128xf32, #tpu.memory_space<vmem_shared>> -> memref<10112x128xf32, #tpu.memory_space<vmem_shared>>
        tpu.wait_indirect_dma semaphore(%run_scoped3A : memref<!tpu.dma_semaphore, #tpu.memory_space<semaphore_mem>>) src(%arg9 : memref<128x128xf32, #tpu.memory_space<vmem>>) dst(%dma_wait3A_78 : memref<10112x128xf32, #tpu.memory_space<vmem_shared>>)
        tpu.yield
      }) : () -> ()
    }
    %scan3A_25 = arith.constant 80 : i32
    %barrier3A_26 = arith.constant 0 : index
    tpu.barrier barrier_id(%barrier3A_26)
    %mul3A_27 = arith.constant 632 : i32
    %mul3A_28 = arith.muli %arg1, %mul3A_27 : i32
    %add3A_29 = arith.constant 0 : i32
    %add3A_30 = arith.addi %mul3A_28, %add3A_29 : i32
    "tpu.region"() ({
      %run_scoped3A = tpu.sem_alloc : memref<!tpu.dma_semaphore, #tpu.memory_space<semaphore_mem>>
      %dma_start3A = arith.constant 0 : i32
      %dma_start3A_62 = tpu.memref_slice %arg10[%add3A_30, %dma_start3A] : memref<10112x128xf32, #tpu.memory_space<vmem_shared>> -> memref<128x128xf32, #tpu.memory_space<vmem_shared>>
      %dma_start3A_63 = arith.constant 0 : i32
      %dma_start3A_64 = tpu.memref_slice %arg10[%add3A_30, %dma_start3A_63] : memref<10112x128xf32, #tpu.memory_space<vmem_shared>> -> memref<128x128xf32, #tpu.memory_space<vmem_shared>>
      tpu.enqueue_dma source(%dma_start3A_64 : memref<128x128xf32, #tpu.memory_space<vmem_shared>>) target(%arg9 : memref<128x128xf32, #tpu.memory_space<vmem>>) target_semaphore(%run_scoped3A : memref<!tpu.dma_semaphore, #tpu.memory_space<semaphore_mem>>)
      %dma_wait3A = arith.constant 0 : i32
      %dma_wait3A_65 = tpu.memref_slice %arg10[%add3A_30, %dma_wait3A] : memref<10112x128xf32, #tpu.memory_space<vmem_shared>> -> memref<128x128xf32, #tpu.memory_space<vmem_shared>>
      %dma_wait3A_66 = arith.constant 0 : i32
      %dma_wait3A_67 = tpu.memref_slice %arg10[%add3A_30, %dma_wait3A_66] : memref<10112x128xf32, #tpu.memory_space<vmem_shared>> -> memref<128x128xf32, #tpu.memory_space<vmem_shared>>
      tpu.wait_dma2 semaphore(%run_scoped3A : memref<!tpu.dma_semaphore, #tpu.memory_space<semaphore_mem>>) src(%dma_wait3A_67 : memref<128x128xf32, #tpu.memory_space<vmem_shared>>) dst(%arg9 : memref<128x128xf32, #tpu.memory_space<vmem>>)
      tpu.yield
    }) : () -> ()
    %mul3A_31 = arith.constant 10112 : i32
    %mul3A_32 = arith.muli %arg0, %mul3A_31 : i32
    %add3A_33 = arith.addi %mul3A_32, %add3A_30 : i32
    "tpu.region"() ({
      %run_scoped3A = tpu.sem_alloc : memref<!tpu.dma_semaphore, #tpu.memory_space<semaphore_mem>>
      %dma_start3A = arith.constant 0 : i32
      %dma_start3A_62 = tpu.memref_slice %arg6[%add3A_33, %dma_start3A] : memref<20224x128xf32, #tpu.memory_space<hbm>> -> memref<128x128xf32, #tpu.memory_space<hbm>>
      %dma_start3A_63 = arith.constant 0 : i32
      %dma_start3A_64 = tpu.memref_slice %arg6[%add3A_33, %dma_start3A_63] : memref<20224x128xf32, #tpu.memory_space<hbm>> -> memref<128x128xf32, #tpu.memory_space<hbm>>
      tpu.enqueue_dma source(%arg9 : memref<128x128xf32, #tpu.memory_space<vmem>>) target(%dma_start3A_64 : memref<128x128xf32, #tpu.memory_space<hbm>>) target_semaphore(%run_scoped3A : memref<!tpu.dma_semaphore, #tpu.memory_space<semaphore_mem>>)
      %dma_wait3A = arith.constant 0 : i32
      %dma_wait3A_65 = tpu.memref_slice %arg6[%add3A_33, %dma_wait3A] : memref<20224x128xf32, #tpu.memory_space<hbm>> -> memref<128x128xf32, #tpu.memory_space<hbm>>
      %dma_wait3A_66 = arith.constant 0 : i32
      %dma_wait3A_67 = tpu.memref_slice %arg6[%add3A_33, %dma_wait3A_66] : memref<20224x128xf32, #tpu.memory_space<hbm>> -> memref<128x128xf32, #tpu.memory_space<hbm>>
      tpu.wait_dma2 semaphore(%run_scoped3A : memref<!tpu.dma_semaphore, #tpu.memory_space<semaphore_mem>>) src(%arg9 : memref<128x128xf32, #tpu.memory_space<vmem>>) dst(%dma_wait3A_67 : memref<128x128xf32, #tpu.memory_space<hbm>>)
      tpu.yield
    }) : () -> ()
    %mul3A_34 = arith.constant 632 : i32
    %mul3A_35 = arith.muli %arg1, %mul3A_34 : i32
    %add3A_36 = arith.constant 128 : i32
    %add3A_37 = arith.addi %mul3A_35, %add3A_36 : i32
    "tpu.region"() ({
      %run_scoped3A = tpu.sem_alloc : memref<!tpu.dma_semaphore, #tpu.memory_space<semaphore_mem>>
      %dma_start3A = arith.constant 0 : i32
      %dma_start3A_62 = tpu.memref_slice %arg10[%add3A_37, %dma_start3A] : memref<10112x128xf32, #tpu.memory_space<vmem_shared>> -> memref<128x128xf32, #tpu.memory_space<vmem_shared>>
      %dma_start3A_63 = arith.constant 0 : i32
      %dma_start3A_64 = tpu.memref_slice %arg10[%add3A_37, %dma_start3A_63] : memref<10112x128xf32, #tpu.memory_space<vmem_shared>> -> memref<128x128xf32, #tpu.memory_space<vmem_shared>>
      tpu.enqueue_dma source(%dma_start3A_64 : memref<128x128xf32, #tpu.memory_space<vmem_shared>>) target(%arg9 : memref<128x128xf32, #tpu.memory_space<vmem>>) target_semaphore(%run_scoped3A : memref<!tpu.dma_semaphore, #tpu.memory_space<semaphore_mem>>)
      %dma_wait3A = arith.constant 0 : i32
      %dma_wait3A_65 = tpu.memref_slice %arg10[%add3A_37, %dma_wait3A] : memref<10112x128xf32, #tpu.memory_space<vmem_shared>> -> memref<128x128xf32, #tpu.memory_space<vmem_shared>>
      %dma_wait3A_66 = arith.constant 0 : i32
      %dma_wait3A_67 = tpu.memref_slice %arg10[%add3A_37, %dma_wait3A_66] : memref<10112x128xf32, #tpu.memory_space<vmem_shared>> -> memref<128x128xf32, #tpu.memory_space<vmem_shared>>
      tpu.wait_dma2 semaphore(%run_scoped3A : memref<!tpu.dma_semaphore, #tpu.memory_space<semaphore_mem>>) src(%dma_wait3A_67 : memref<128x128xf32, #tpu.memory_space<vmem_shared>>) dst(%arg9 : memref<128x128xf32, #tpu.memory_space<vmem>>)
      tpu.yield
    }) : () -> ()
    %mul3A_38 = arith.constant 10112 : i32
    %mul3A_39 = arith.muli %arg0, %mul3A_38 : i32
    %add3A_40 = arith.addi %mul3A_39, %add3A_37 : i32
    "tpu.region"() ({
      %run_scoped3A = tpu.sem_alloc : memref<!tpu.dma_semaphore, #tpu.memory_space<semaphore_mem>>
      %dma_start3A = arith.constant 0 : i32
      %dma_start3A_62 = tpu.memref_slice %arg6[%add3A_40, %dma_start3A] : memref<20224x128xf32, #tpu.memory_space<hbm>> -> memref<128x128xf32, #tpu.memory_space<hbm>>
      %dma_start3A_63 = arith.constant 0 : i32
      %dma_start3A_64 = tpu.memref_slice %arg6[%add3A_40, %dma_start3A_63] : memref<20224x128xf32, #tpu.memory_space<hbm>> -> memref<128x128xf32, #tpu.memory_space<hbm>>
      tpu.enqueue_dma source(%arg9 : memref<128x128xf32, #tpu.memory_space<vmem>>) target(%dma_start3A_64 : memref<128x128xf32, #tpu.memory_space<hbm>>) target_semaphore(%run_scoped3A : memref<!tpu.dma_semaphore, #tpu.memory_space<semaphore_mem>>)
      %dma_wait3A = arith.constant 0 : i32
      %dma_wait3A_65 = tpu.memref_slice %arg6[%add3A_40, %dma_wait3A] : memref<20224x128xf32, #tpu.memory_space<hbm>> -> memref<128x128xf32, #tpu.memory_space<hbm>>
      %dma_wait3A_66 = arith.constant 0 : i32
      %dma_wait3A_67 = tpu.memref_slice %arg6[%add3A_40, %dma_wait3A_66] : memref<20224x128xf32, #tpu.memory_space<hbm>> -> memref<128x128xf32, #tpu.memory_space<hbm>>
      tpu.wait_dma2 semaphore(%run_scoped3A : memref<!tpu.dma_semaphore, #tpu.memory_space<semaphore_mem>>) src(%arg9 : memref<128x128xf32, #tpu.memory_space<vmem>>) dst(%dma_wait3A_67 : memref<128x128xf32, #tpu.memory_space<hbm>>)
      tpu.yield
    }) : () -> ()
    %mul3A_41 = arith.constant 632 : i32
    %mul3A_42 = arith.muli %arg1, %mul3A_41 : i32
    %add3A_43 = arith.constant 256 : i32
    %add3A_44 = arith.addi %mul3A_42, %add3A_43 : i32
    "tpu.region"() ({
      %run_scoped3A = tpu.sem_alloc : memref<!tpu.dma_semaphore, #tpu.memory_space<semaphore_mem>>
      %dma_start3A = arith.constant 0 : i32
      %dma_start3A_62 = tpu.memref_slice %arg10[%add3A_44, %dma_start3A] : memref<10112x128xf32, #tpu.memory_space<vmem_shared>> -> memref<128x128xf32, #tpu.memory_space<vmem_shared>>
      %dma_start3A_63 = arith.constant 0 : i32
      %dma_start3A_64 = tpu.memref_slice %arg10[%add3A_44, %dma_start3A_63] : memref<10112x128xf32, #tpu.memory_space<vmem_shared>> -> memref<128x128xf32, #tpu.memory_space<vmem_shared>>
      tpu.enqueue_dma source(%dma_start3A_64 : memref<128x128xf32, #tpu.memory_space<vmem_shared>>) target(%arg9 : memref<128x128xf32, #tpu.memory_space<vmem>>) target_semaphore(%run_scoped3A : memref<!tpu.dma_semaphore, #tpu.memory_space<semaphore_mem>>)
      %dma_wait3A = arith.constant 0 : i32
      %dma_wait3A_65 = tpu.memref_slice %arg10[%add3A_44, %dma_wait3A] : memref<10112x128xf32, #tpu.memory_space<vmem_shared>> -> memref<128x128xf32, #tpu.memory_space<vmem_shared>>
      %dma_wait3A_66 = arith.constant 0 : i32
      %dma_wait3A_67 = tpu.memref_slice %arg10[%add3A_44, %dma_wait3A_66] : memref<10112x128xf32, #tpu.memory_space<vmem_shared>> -> memref<128x128xf32, #tpu.memory_space<vmem_shared>>
      tpu.wait_dma2 semaphore(%run_scoped3A : memref<!tpu.dma_semaphore, #tpu.memory_space<semaphore_mem>>) src(%dma_wait3A_67 : memref<128x128xf32, #tpu.memory_space<vmem_shared>>) dst(%arg9 : memref<128x128xf32, #tpu.memory_space<vmem>>)
      tpu.yield
    }) : () -> ()
    %mul3A_45 = arith.constant 10112 : i32
    %mul3A_46 = arith.muli %arg0, %mul3A_45 : i32
    %add3A_47 = arith.addi %mul3A_46, %add3A_44 : i32
    "tpu.region"() ({
      %run_scoped3A = tpu.sem_alloc : memref<!tpu.dma_semaphore, #tpu.memory_space<semaphore_mem>>
      %dma_start3A = arith.constant 0 : i32
      %dma_start3A_62 = tpu.memref_slice %arg6[%add3A_47, %dma_start3A] : memref<20224x128xf32, #tpu.memory_space<hbm>> -> memref<128x128xf32, #tpu.memory_space<hbm>>
      %dma_start3A_63 = arith.constant 0 : i32
      %dma_start3A_64 = tpu.memref_slice %arg6[%add3A_47, %dma_start3A_63] : memref<20224x128xf32, #tpu.memory_space<hbm>> -> memref<128x128xf32, #tpu.memory_space<hbm>>
      tpu.enqueue_dma source(%arg9 : memref<128x128xf32, #tpu.memory_space<vmem>>) target(%dma_start3A_64 : memref<128x128xf32, #tpu.memory_space<hbm>>) target_semaphore(%run_scoped3A : memref<!tpu.dma_semaphore, #tpu.memory_space<semaphore_mem>>)
      %dma_wait3A = arith.constant 0 : i32
      %dma_wait3A_65 = tpu.memref_slice %arg6[%add3A_47, %dma_wait3A] : memref<20224x128xf32, #tpu.memory_space<hbm>> -> memref<128x128xf32, #tpu.memory_space<hbm>>
      %dma_wait3A_66 = arith.constant 0 : i32
      %dma_wait3A_67 = tpu.memref_slice %arg6[%add3A_47, %dma_wait3A_66] : memref<20224x128xf32, #tpu.memory_space<hbm>> -> memref<128x128xf32, #tpu.memory_space<hbm>>
      tpu.wait_dma2 semaphore(%run_scoped3A : memref<!tpu.dma_semaphore, #tpu.memory_space<semaphore_mem>>) src(%arg9 : memref<128x128xf32, #tpu.memory_space<vmem>>) dst(%dma_wait3A_67 : memref<128x128xf32, #tpu.memory_space<hbm>>)
      tpu.yield
    }) : () -> ()
    %mul3A_48 = arith.constant 632 : i32
    %mul3A_49 = arith.muli %arg1, %mul3A_48 : i32
    %add3A_50 = arith.constant 384 : i32
    %add3A_51 = arith.addi %mul3A_49, %add3A_50 : i32
    "tpu.region"() ({
      %run_scoped3A = tpu.sem_alloc : memref<!tpu.dma_semaphore, #tpu.memory_space<semaphore_mem>>
      %dma_start3A = arith.constant 0 : i32
      %dma_start3A_62 = tpu.memref_slice %arg10[%add3A_51, %dma_start3A] : memref<10112x128xf32, #tpu.memory_space<vmem_shared>> -> memref<128x128xf32, #tpu.memory_space<vmem_shared>>
      %dma_start3A_63 = arith.constant 0 : i32
      %dma_start3A_64 = tpu.memref_slice %arg10[%add3A_51, %dma_start3A_63] : memref<10112x128xf32, #tpu.memory_space<vmem_shared>> -> memref<128x128xf32, #tpu.memory_space<vmem_shared>>
      tpu.enqueue_dma source(%dma_start3A_64 : memref<128x128xf32, #tpu.memory_space<vmem_shared>>) target(%arg9 : memref<128x128xf32, #tpu.memory_space<vmem>>) target_semaphore(%run_scoped3A : memref<!tpu.dma_semaphore, #tpu.memory_space<semaphore_mem>>)
      %dma_wait3A = arith.constant 0 : i32
      %dma_wait3A_65 = tpu.memref_slice %arg10[%add3A_51, %dma_wait3A] : memref<10112x128xf32, #tpu.memory_space<vmem_shared>> -> memref<128x128xf32, #tpu.memory_space<vmem_shared>>
      %dma_wait3A_66 = arith.constant 0 : i32
      %dma_wait3A_67 = tpu.memref_slice %arg10[%add3A_51, %dma_wait3A_66] : memref<10112x128xf32, #tpu.memory_space<vmem_shared>> -> memref<128x128xf32, #tpu.memory_space<vmem_shared>>
      tpu.wait_dma2 semaphore(%run_scoped3A : memref<!tpu.dma_semaphore, #tpu.memory_space<semaphore_mem>>) src(%dma_wait3A_67 : memref<128x128xf32, #tpu.memory_space<vmem_shared>>) dst(%arg9 : memref<128x128xf32, #tpu.memory_space<vmem>>)
      tpu.yield
    }) : () -> ()
    %mul3A_52 = arith.constant 10112 : i32
    %mul3A_53 = arith.muli %arg0, %mul3A_52 : i32
    %add3A_54 = arith.addi %mul3A_53, %add3A_51 : i32
    "tpu.region"() ({
      %run_scoped3A = tpu.sem_alloc : memref<!tpu.dma_semaphore, #tpu.memory_space<semaphore_mem>>
      %dma_start3A = arith.constant 0 : i32
      %dma_start3A_62 = tpu.memref_slice %arg6[%add3A_54, %dma_start3A] : memref<20224x128xf32, #tpu.memory_space<hbm>> -> memref<128x128xf32, #tpu.memory_space<hbm>>
      %dma_start3A_63 = arith.constant 0 : i32
      %dma_start3A_64 = tpu.memref_slice %arg6[%add3A_54, %dma_start3A_63] : memref<20224x128xf32, #tpu.memory_space<hbm>> -> memref<128x128xf32, #tpu.memory_space<hbm>>
      tpu.enqueue_dma source(%arg9 : memref<128x128xf32, #tpu.memory_space<vmem>>) target(%dma_start3A_64 : memref<128x128xf32, #tpu.memory_space<hbm>>) target_semaphore(%run_scoped3A : memref<!tpu.dma_semaphore, #tpu.memory_space<semaphore_mem>>)
      %dma_wait3A = arith.constant 0 : i32
      %dma_wait3A_65 = tpu.memref_slice %arg6[%add3A_54, %dma_wait3A] : memref<20224x128xf32, #tpu.memory_space<hbm>> -> memref<128x128xf32, #tpu.memory_space<hbm>>
      %dma_wait3A_66 = arith.constant 0 : i32
      %dma_wait3A_67 = tpu.memref_slice %arg6[%add3A_54, %dma_wait3A_66] : memref<20224x128xf32, #tpu.memory_space<hbm>> -> memref<128x128xf32, #tpu.memory_space<hbm>>
      tpu.wait_dma2 semaphore(%run_scoped3A : memref<!tpu.dma_semaphore, #tpu.memory_space<semaphore_mem>>) src(%arg9 : memref<128x128xf32, #tpu.memory_space<vmem>>) dst(%dma_wait3A_67 : memref<128x128xf32, #tpu.memory_space<hbm>>)
      tpu.yield
    }) : () -> ()
    %mul3A_55 = arith.constant 632 : i32
    %mul3A_56 = arith.muli %arg1, %mul3A_55 : i32
    %add3A_57 = arith.constant 512 : i32
    %add3A_58 = arith.addi %mul3A_56, %add3A_57 : i32
    "tpu.region"() ({
      %run_scoped3A = tpu.sem_alloc : memref<!tpu.dma_semaphore, #tpu.memory_space<semaphore_mem>>
      %dma_start3A = arith.constant 0 : i32
      %dma_start3A_62 = arith.constant 0 : i32
      %dma_start3A_63 = tpu.memref_slice %arg9[%dma_start3A, %dma_start3A_62] : memref<128x128xf32, #tpu.memory_space<vmem>> -> memref<120x128xf32, #tpu.memory_space<vmem>>
      %dma_start3A_64 = arith.constant 0 : i32
      %dma_start3A_65 = tpu.memref_slice %arg10[%add3A_58, %dma_start3A_64] : memref<10112x128xf32, #tpu.memory_space<vmem_shared>> -> memref<120x128xf32, #tpu.memory_space<vmem_shared>>
      %dma_start3A_66 = arith.constant 0 : i32
      %dma_start3A_67 = arith.constant 0 : i32
      %dma_start3A_68 = tpu.memref_slice %arg9[%dma_start3A_66, %dma_start3A_67] : memref<128x128xf32, #tpu.memory_space<vmem>> -> memref<120x128xf32, #tpu.memory_space<vmem>>
      %dma_start3A_69 = arith.constant 0 : i32
      %dma_start3A_70 = tpu.memref_slice %arg10[%add3A_58, %dma_start3A_69] : memref<10112x128xf32, #tpu.memory_space<vmem_shared>> -> memref<120x128xf32, #tpu.memory_space<vmem_shared>>
      tpu.enqueue_dma source(%dma_start3A_70 : memref<120x128xf32, #tpu.memory_space<vmem_shared>>) target(%dma_start3A_68 : memref<120x128xf32, #tpu.memory_space<vmem>>) target_semaphore(%run_scoped3A : memref<!tpu.dma_semaphore, #tpu.memory_space<semaphore_mem>>)
      %dma_wait3A = arith.constant 0 : i32
      %dma_wait3A_71 = arith.constant 0 : i32
      %dma_wait3A_72 = tpu.memref_slice %arg9[%dma_wait3A, %dma_wait3A_71] : memref<128x128xf32, #tpu.memory_space<vmem>> -> memref<120x128xf32, #tpu.memory_space<vmem>>
      %dma_wait3A_73 = arith.constant 0 : i32
      %dma_wait3A_74 = tpu.memref_slice %arg10[%add3A_58, %dma_wait3A_73] : memref<10112x128xf32, #tpu.memory_space<vmem_shared>> -> memref<120x128xf32, #tpu.memory_space<vmem_shared>>
      %dma_wait3A_75 = arith.constant 0 : i32
      %dma_wait3A_76 = arith.constant 0 : i32
      %dma_wait3A_77 = tpu.memref_slice %arg9[%dma_wait3A_75, %dma_wait3A_76] : memref<128x128xf32, #tpu.memory_space<vmem>> -> memref<120x128xf32, #tpu.memory_space<vmem>>
      %dma_wait3A_78 = arith.constant 0 : i32
      %dma_wait3A_79 = tpu.memref_slice %arg10[%add3A_58, %dma_wait3A_78] : memref<10112x128xf32, #tpu.memory_space<vmem_shared>> -> memref<120x128xf32, #tpu.memory_space<vmem_shared>>
      tpu.wait_dma2 semaphore(%run_scoped3A : memref<!tpu.dma_semaphore, #tpu.memory_space<semaphore_mem>>) src(%dma_wait3A_79 : memref<120x128xf32, #tpu.memory_space<vmem_shared>>) dst(%dma_wait3A_77 : memref<120x128xf32, #tpu.memory_space<vmem>>)
      tpu.yield
    }) : () -> ()
    %mul3A_59 = arith.constant 10112 : i32
    %mul3A_60 = arith.muli %arg0, %mul3A_59 : i32
    %add3A_61 = arith.addi %mul3A_60, %add3A_58 : i32
    "tpu.region"() ({
      %run_scoped3A = tpu.sem_alloc : memref<!tpu.dma_semaphore, #tpu.memory_space<semaphore_mem>>
      %dma_start3A = arith.constant 0 : i32
      %dma_start3A_62 = arith.constant 0 : i32
      %dma_start3A_63 = tpu.memref_slice %arg9[%dma_start3A, %dma_start3A_62] : memref<128x128xf32, #tpu.memory_space<vmem>> -> memref<120x128xf32, #tpu.memory_space<vmem>>
      %dma_start3A_64 = arith.constant 0 : i32
      %dma_start3A_65 = tpu.memref_slice %arg6[%add3A_61, %dma_start3A_64] : memref<20224x128xf32, #tpu.memory_space<hbm>> -> memref<120x128xf32, #tpu.memory_space<hbm>>
      %dma_start3A_66 = arith.constant 0 : i32
      %dma_start3A_67 = tpu.memref_slice %arg6[%add3A_61, %dma_start3A_66] : memref<20224x128xf32, #tpu.memory_space<hbm>> -> memref<120x128xf32, #tpu.memory_space<hbm>>
      %dma_start3A_68 = arith.constant 0 : i32
      %dma_start3A_69 = arith.constant 0 : i32
      %dma_start3A_70 = tpu.memref_slice %arg9[%dma_start3A_68, %dma_start3A_69] : memref<128x128xf32, #tpu.memory_space<vmem>> -> memref<120x128xf32, #tpu.memory_space<vmem>>
      tpu.enqueue_dma source(%dma_start3A_70 : memref<120x128xf32, #tpu.memory_space<vmem>>) target(%dma_start3A_67 : memref<120x128xf32, #tpu.memory_space<hbm>>) target_semaphore(%run_scoped3A : memref<!tpu.dma_semaphore, #tpu.memory_space<semaphore_mem>>)
      %dma_wait3A = arith.constant 0 : i32
      %dma_wait3A_71 = arith.constant 0 : i32
      %dma_wait3A_72 = tpu.memref_slice %arg9[%dma_wait3A, %dma_wait3A_71] : memref<128x128xf32, #tpu.memory_space<vmem>> -> memref<120x128xf32, #tpu.memory_space<vmem>>
      %dma_wait3A_73 = arith.constant 0 : i32
      %dma_wait3A_74 = tpu.memref_slice %arg6[%add3A_61, %dma_wait3A_73] : memref<20224x128xf32, #tpu.memory_space<hbm>> -> memref<120x128xf32, #tpu.memory_space<hbm>>
      %dma_wait3A_75 = arith.constant 0 : i32
      %dma_wait3A_76 = tpu.memref_slice %arg6[%add3A_61, %dma_wait3A_75] : memref<20224x128xf32, #tpu.memory_space<hbm>> -> memref<120x128xf32, #tpu.memory_space<hbm>>
      %dma_wait3A_77 = arith.constant 0 : i32
      %dma_wait3A_78 = arith.constant 0 : i32
      %dma_wait3A_79 = tpu.memref_slice %arg9[%dma_wait3A_77, %dma_wait3A_78] : memref<128x128xf32, #tpu.memory_space<vmem>> -> memref<120x128xf32, #tpu.memory_space<vmem>>
      tpu.wait_dma2 semaphore(%run_scoped3A : memref<!tpu.dma_semaphore, #tpu.memory_space<semaphore_mem>>) src(%dma_wait3A_79 : memref<120x128xf32, #tpu.memory_space<vmem>>) dst(%dma_wait3A_76 : memref<120x128xf32, #tpu.memory_space<hbm>>)
      tpu.yield
    }) : () -> ()
    return
  }
}

module attributes {stable_mosaic.version = 14 : i64} {
  func.func @body(%arg0: i32, %arg1: memref<1000x128xf32, #tpu.memory_space<vmem>>, %arg2: memref<128x128xf32, #tpu.memory_space<vmem>>, %arg3: memref<1000x128xf32, #tpu.memory_space<vmem>>) attributes {dimension_semantics = [#tpu.dimension_semantics<arbitrary>], iteration_bounds = array<i64: 10>, scalar_prefetch = 0 : i64, scratch_operands = 0 : i64, tpu.core_type = #tpu.core_type<tc>, window_params = [{transform_indices = @transform_0, window_bounds = array<i64: 1000, 128>}, {pipeline_mode = #tpu.pipeline_mode<synchronous>, transform_indices = @transform_1, window_bounds = array<i64: 128, 128>}, {transform_indices = @transform_2, window_bounds = array<i64: 1000, 128>}]} {
    %get3A = arith.constant 0 : index
    %get3A_0 = arith.constant 0 : index
    %get3A_1 = vector.load %arg1[%get3A, %get3A_0] : memref<1000x128xf32, #tpu.memory_space<vmem>>, vector<1000x128xf32>
    %get3A_2 = arith.constant 0 : index
    %get3A_3 = arith.constant 0 : index
    %get3A_4 = vector.load %arg2[%get3A_2, %get3A_3] : memref<128x128xf32, #tpu.memory_space<vmem>>, vector<128x128xf32>
    %dot_general3A = arith.constant dense<0.000000e+00> : vector<1000x128xf32>
    %dot_general3A_5 = tpu.matmul %get3A_1, %get3A_4, %dot_general3A {dimension_numbers = #tpu.dot_dimension_numbers<[1], [0], [0], [1], [0, 0, 1, 1], [], []>, precision = #tpu.contract_precision<fp32>, transpose_lhs_hint = false} : vector<1000x128xf32>, vector<128x128xf32>, vector<1000x128xf32> -> vector<1000x128xf32>
    %swap3A = arith.constant 0 : index
    %swap3A_6 = arith.constant 0 : index
    %swap3A_7 = vector.load %arg3[%swap3A, %swap3A_6] : memref<1000x128xf32, #tpu.memory_space<vmem>>, vector<1000x128xf32>
    tpu.vector_store %arg3[%swap3A, %swap3A_6], %dot_general3A_5 {strides = array<i32>} : memref<1000x128xf32, #tpu.memory_space<vmem>>, vector<1000x128xf32>,
    return
  }
  func.func @transform_0(%arg0: i32) -> (i32, i32) {
    %c0_i32 = arith.constant 0 : i32
    %c0_i32_0 = arith.constant 0 : i32
    return %arg0, %c0_i32 : i32, i32
  }
  func.func @transform_1(%arg0: i32) -> (i32, i32) {
    %c0_i32 = arith.constant 0 : i32
    %c0_i32_0 = arith.constant 0 : i32
    %c0_i32_1 = arith.constant 0 : i32
    return %c0_i32, %c0_i32_0 : i32, i32
  }
  func.func @transform_2(%arg0: i32) -> (i32, i32) {
    %c0_i32 = arith.constant 0 : i32
    %c0_i32_0 = arith.constant 0 : i32
    return %arg0, %c0_i32 : i32, i32
  }
}

module attributes {stable_mosaic.version = 14 : i64} {
  func.func @body(%arg0: i32, %arg1: memref<2x632x128xf32, #tpu.memory_space<vmem>>, %arg2: memref<632x128xf32, #tpu.memory_space<vmem>>) attributes {dimension_semantics = [#tpu.dimension_semantics<arbitrary>], iteration_bounds = array<i64: 16>, scalar_prefetch = 0 : i64, scratch_operands = 0 : i64, tpu.core_type = #tpu.core_type<tc>, window_params = [{transform_indices = @transform_0, window_bounds = array<i64: 2, 632, 128>}, {transform_indices = @transform_1, window_bounds = array<i64: 632, 128>}]} {
    %get3A = arith.constant 0 : index
    %get3A_0 = arith.constant 0 : index
    %get3A_1 = arith.constant 0 : index
    %get3A_2 = vector.load %arg1[%get3A, %get3A_0, %get3A_1] : memref<2x632x128xf32, #tpu.memory_space<vmem>>, vector<1x632x128xf32>
    %get3A_3 = vector.shape_cast %get3A_2 : vector<1x632x128xf32> to vector<632x128xf32>
    %get3A_4 = arith.constant 1 : index
    %get3A_5 = arith.constant 0 : index
    %get3A_6 = arith.constant 0 : index
    %get3A_7 = vector.load %arg1[%get3A_4, %get3A_5, %get3A_6] : memref<2x632x128xf32, #tpu.memory_space<vmem>>, vector<1x632x128xf32>
    %get3A_8 = vector.shape_cast %get3A_7 : vector<1x632x128xf32> to vector<632x128xf32>
    %add3A = arith.addf %get3A_3, %get3A_8 : vector<632x128xf32>
    %max3A = arith.constant 1.000000e+00 : f32
    %max3A_9 = vector.broadcast %max3A : f32 to vector<632x128xf32>
    %max3A_10 = arith.maximumf %add3A, %max3A_9 : vector<632x128xf32>
    %div3A = arith.constant 1.000000e+00 : f32
    %div3A_11 = vector.broadcast %div3A : f32 to vector<632x128xf32>
    %div3A_12 = arith.divf %div3A_11, %max3A_10 : vector<632x128xf32>
    %swap3A = arith.constant 0 : index
    %swap3A_13 = arith.constant 0 : index
    %swap3A_14 = vector.load %arg2[%swap3A, %swap3A_13] : memref<632x128xf32, #tpu.memory_space<vmem>>, vector<632x128xf32>
    tpu.vector_store %arg2[%swap3A, %swap3A_13], %div3A_12 {strides = array<i32>} : memref<632x128xf32, #tpu.memory_space<vmem>>, vector<632x128xf32>,
    return
  }
  func.func @transform_0(%arg0: i32) -> (i32, i32, i32) {
    %c0_i32 = arith.constant 0 : i32
    %c0_i32_0 = arith.constant 0 : i32
    %c0_i32_1 = arith.constant 0 : i32
    return %c0_i32, %arg0, %c0_i32_0 : i32, i32, i32
  }
  func.func @transform_1(%arg0: i32) -> (i32, i32) {
    %c0_i32 = arith.constant 0 : i32
    %c0_i32_0 = arith.constant 0 : i32
    return %arg0, %c0_i32 : i32, i32
  }
}

module attributes {stable_mosaic.version = 14 : i64} {
  func.func @body(%arg0: i32, %arg1: memref<2x632x128xf32, #tpu.memory_space<vmem>>, %arg2: memref<632x128xf32, #tpu.memory_space<vmem>>) attributes {dimension_semantics = [#tpu.dimension_semantics<arbitrary>], iteration_bounds = array<i64: 16>, scalar_prefetch = 0 : i64, scratch_operands = 0 : i64, tpu.core_type = #tpu.core_type<tc>, window_params = [{transform_indices = @transform_0, window_bounds = array<i64: 2, 632, 128>}, {transform_indices = @transform_1, window_bounds = array<i64: 632, 128>}]} {
    %get3A = arith.constant 0 : index
    %get3A_0 = arith.constant 0 : index
    %get3A_1 = arith.constant 0 : index
    %get3A_2 = vector.load %arg1[%get3A, %get3A_0, %get3A_1] : memref<2x632x128xf32, #tpu.memory_space<vmem>>, vector<1x632x128xf32>
    %get3A_3 = vector.shape_cast %get3A_2 : vector<1x632x128xf32> to vector<632x128xf32>
    %get3A_4 = arith.constant 1 : index
    %get3A_5 = arith.constant 0 : index
    %get3A_6 = arith.constant 0 : index
    %get3A_7 = vector.load %arg1[%get3A_4, %get3A_5, %get3A_6] : memref<2x632x128xf32, #tpu.memory_space<vmem>>, vector<1x632x128xf32>
    %get3A_8 = vector.shape_cast %get3A_7 : vector<1x632x128xf32> to vector<632x128xf32>
    %add3A = arith.addf %get3A_3, %get3A_8 : vector<632x128xf32>
    %max3A = arith.constant 1.000000e+00 : f32
    %max3A_9 = vector.broadcast %max3A : f32 to vector<632x128xf32>
    %max3A_10 = arith.maximumf %add3A, %max3A_9 : vector<632x128xf32>
    %div3A = arith.constant 1.000000e+00 : f32
    %div3A_11 = vector.broadcast %div3A : f32 to vector<632x128xf32>
    %div3A_12 = arith.divf %div3A_11, %max3A_10 : vector<632x128xf32>
    %swap3A = arith.constant 0 : index
    %swap3A_13 = arith.constant 0 : index
    %swap3A_14 = vector.load %arg2[%swap3A, %swap3A_13] : memref<632x128xf32, #tpu.memory_space<vmem>>, vector<632x128xf32>
    tpu.vector_store %arg2[%swap3A, %swap3A_13], %div3A_12 {strides = array<i32>} : memref<632x128xf32, #tpu.memory_space<vmem>>, vector<632x128xf32>,
    return
  }
  func.func @transform_0(%arg0: i32) -> (i32, i32, i32) {
    %c0_i32 = arith.constant 0 : i32
    %c0_i32_0 = arith.constant 0 : i32
    %c0_i32_1 = arith.constant 0 : i32
    return %c0_i32, %arg0, %c0_i32_0 : i32, i32, i32
  }
  func.func @transform_1(%arg0: i32) -> (i32, i32) {
    %c0_i32 = arith.constant 0 : i32
    %c0_i32_0 = arith.constant 0 : i32
    return %arg0, %c0_i32 : i32, i32
  }
}

module attributes {stable_mosaic.version = 14 : i64} {
  func.func @body(%arg0: i32, %arg1: memref<2x1000x128xf32, #tpu.memory_space<vmem>>, %arg2: memref<1000x128xf32, #tpu.memory_space<vmem>>, %arg3: memref<1000x128xf32, #tpu.memory_space<vmem>>) attributes {dimension_semantics = [#tpu.dimension_semantics<arbitrary>], iteration_bounds = array<i64: 10>, scalar_prefetch = 0 : i64, scratch_operands = 0 : i64, tpu.core_type = #tpu.core_type<tc>, window_params = [{transform_indices = @transform_0, window_bounds = array<i64: 2, 1000, 128>}, {transform_indices = @transform_1, window_bounds = array<i64: 1000, 128>}, {transform_indices = @transform_2, window_bounds = array<i64: 1000, 128>}]} {
    %get3A = arith.constant 0 : index
    %get3A_0 = arith.constant 0 : index
    %get3A_1 = arith.constant 0 : index
    %get3A_2 = vector.load %arg1[%get3A, %get3A_0, %get3A_1] : memref<2x1000x128xf32, #tpu.memory_space<vmem>>, vector<1x1000x128xf32>
    %get3A_3 = vector.shape_cast %get3A_2 : vector<1x1000x128xf32> to vector<1000x128xf32>
    %get3A_4 = arith.constant 1 : index
    %get3A_5 = arith.constant 0 : index
    %get3A_6 = arith.constant 0 : index
    %get3A_7 = vector.load %arg1[%get3A_4, %get3A_5, %get3A_6] : memref<2x1000x128xf32, #tpu.memory_space<vmem>>, vector<1x1000x128xf32>
    %get3A_8 = vector.shape_cast %get3A_7 : vector<1x1000x128xf32> to vector<1000x128xf32>
    %add3A = arith.addf %get3A_3, %get3A_8 : vector<1000x128xf32>
    %get3A_9 = arith.constant 0 : index
    %get3A_10 = arith.constant 0 : index
    %get3A_11 = vector.load %arg2[%get3A_9, %get3A_10] : memref<1000x128xf32, #tpu.memory_space<vmem>>, vector<1000x1xf32>
    %mul3A = vector.broadcast %get3A_11 : vector<1000x1xf32> to vector<1000x128xf32>
    %mul3A_12 = arith.mulf %add3A, %mul3A : vector<1000x128xf32>
    %swap3A = arith.constant 0 : index
    %swap3A_13 = arith.constant 0 : index
    %swap3A_14 = vector.load %arg3[%swap3A, %swap3A_13] : memref<1000x128xf32, #tpu.memory_space<vmem>>, vector<1000x128xf32>
    tpu.vector_store %arg3[%swap3A, %swap3A_13], %mul3A_12 {strides = array<i32>} : memref<1000x128xf32, #tpu.memory_space<vmem>>, vector<1000x128xf32>,
    return
  }
  func.func @transform_0(%arg0: i32) -> (i32, i32, i32) {
    %c0_i32 = arith.constant 0 : i32
    %c0_i32_0 = arith.constant 0 : i32
    %c0_i32_1 = arith.constant 0 : i32
    return %c0_i32, %arg0, %c0_i32_0 : i32, i32, i32
  }
  func.func @transform_1(%arg0: i32) -> (i32, i32) {
    %c0_i32 = arith.constant 0 : i32
    %c0_i32_0 = arith.constant 0 : i32
    return %arg0, %c0_i32 : i32, i32
  }
  func.func @transform_2(%arg0: i32) -> (i32, i32) {
    %c0_i32 = arith.constant 0 : i32
    %c0_i32_0 = arith.constant 0 : i32
    return %arg0, %c0_i32 : i32, i32
  }
}

module attributes {stable_mosaic.version = 14 : i64} {
  func.func @body(%arg0: i32, %arg1: memref<2x1000x128xf32, #tpu.memory_space<vmem>>, %arg2: memref<1000x128xf32, #tpu.memory_space<vmem>>, %arg3: memref<1x128xf32, #tpu.memory_space<vmem>>, %arg4: memref<128x128xf32, #tpu.memory_space<vmem>>, %arg5: memref<1000x128xf32, #tpu.memory_space<vmem>>) attributes {dimension_semantics = [#tpu.dimension_semantics<arbitrary>], iteration_bounds = array<i64: 10>, scalar_prefetch = 0 : i64, scratch_operands = 0 : i64, tpu.core_type = #tpu.core_type<tc>, window_params = [{transform_indices = @transform_0, window_bounds = array<i64: 2, 1000, 128>}, {transform_indices = @transform_1, window_bounds = array<i64: 1000, 128>}, {pipeline_mode = #tpu.pipeline_mode<synchronous>, transform_indices = @transform_2, window_bounds = array<i64: 1, 128>}, {pipeline_mode = #tpu.pipeline_mode<synchronous>, transform_indices = @transform_3, window_bounds = array<i64: 128, 128>}, {transform_indices = @transform_4, window_bounds = array<i64: 1000, 128>}]} {
    %get3A = arith.constant 0 : index
    %get3A_0 = arith.constant 0 : index
    %get3A_1 = arith.constant 0 : index
    %get3A_2 = vector.load %arg1[%get3A, %get3A_0, %get3A_1] : memref<2x1000x128xf32, #tpu.memory_space<vmem>>, vector<1x1000x128xf32>
    %get3A_3 = vector.shape_cast %get3A_2 : vector<1x1000x128xf32> to vector<1000x128xf32>
    %get3A_4 = arith.constant 1 : index
    %get3A_5 = arith.constant 0 : index
    %get3A_6 = arith.constant 0 : index
    %get3A_7 = vector.load %arg1[%get3A_4, %get3A_5, %get3A_6] : memref<2x1000x128xf32, #tpu.memory_space<vmem>>, vector<1x1000x128xf32>
    %get3A_8 = vector.shape_cast %get3A_7 : vector<1x1000x128xf32> to vector<1000x128xf32>
    %add3A = arith.addf %get3A_3, %get3A_8 : vector<1000x128xf32>
    %get3A_9 = arith.constant 0 : index
    %get3A_10 = arith.constant 0 : index
    %get3A_11 = vector.load %arg2[%get3A_9, %get3A_10] : memref<1000x128xf32, #tpu.memory_space<vmem>>, vector<1000x1xf32>
    %mul3A = vector.broadcast %get3A_11 : vector<1000x1xf32> to vector<1000x128xf32>
    %mul3A_12 = arith.mulf %add3A, %mul3A : vector<1000x128xf32>
    %get3A_13 = arith.constant 0 : index
    %get3A_14 = arith.constant 0 : index
    %get3A_15 = vector.load %arg3[%get3A_13, %get3A_14] : memref<1x128xf32, #tpu.memory_space<vmem>>, vector<1x128xf32>
    %add3A_16 = vector.broadcast %get3A_15 : vector<1x128xf32> to vector<1000x128xf32>
    %add3A_17 = arith.addf %mul3A_12, %add3A_16 : vector<1000x128xf32>
    %max3A = arith.constant 0.000000e+00 : f32
    %max3A_18 = vector.broadcast %max3A : f32 to vector<1000x128xf32>
    %max3A_19 = arith.maximumf %add3A_17, %max3A_18 : vector<1000x128xf32>
    %get3A_20 = arith.constant 0 : index
    %get3A_21 = arith.constant 0 : index
    %get3A_22 = vector.load %arg4[%get3A_20, %get3A_21] : memref<128x128xf32, #tpu.memory_space<vmem>>, vector<128x128xf32>
    %dot_general3A = arith.constant dense<0.000000e+00> : vector<1000x128xf32>
    %dot_general3A_23 = tpu.matmul %max3A_19, %get3A_22, %dot_general3A {dimension_numbers = #tpu.dot_dimension_numbers<[1], [0], [0], [1], [0, 0, 1, 1], [], []>, precision = #tpu.contract_precision<fp32>, transpose_lhs_hint = false} : vector<1000x128xf32>, vector<128x128xf32>, vector<1000x128xf32> -> vector<1000x128xf32>
    %swap3A = arith.constant 0 : index
    %swap3A_24 = arith.constant 0 : index
    %swap3A_25 = vector.load %arg5[%swap3A, %swap3A_24] : memref<1000x128xf32, #tpu.memory_space<vmem>>, vector<1000x128xf32>
    tpu.vector_store %arg5[%swap3A, %swap3A_24], %dot_general3A_23 {strides = array<i32>} : memref<1000x128xf32, #tpu.memory_space<vmem>>, vector<1000x128xf32>,
    return
  }
  func.func @transform_0(%arg0: i32) -> (i32, i32, i32) {
    %c0_i32 = arith.constant 0 : i32
    %c0_i32_0 = arith.constant 0 : i32
    %c0_i32_1 = arith.constant 0 : i32
    return %c0_i32, %arg0, %c0_i32_0 : i32, i32, i32
  }
  func.func @transform_1(%arg0: i32) -> (i32, i32) {
    %c0_i32 = arith.constant 0 : i32
    %c0_i32_0 = arith.constant 0 : i32
    return %arg0, %c0_i32 : i32, i32
  }
  func.func @transform_2(%arg0: i32) -> (i32, i32) {
    %c0_i32 = arith.constant 0 : i32
    %c0_i32_0 = arith.constant 0 : i32
    %c0_i32_1 = arith.constant 0 : i32
    return %c0_i32, %c0_i32_0 : i32, i32
  }
  func.func @transform_3(%arg0: i32) -> (i32, i32) {
    %c0_i32 = arith.constant 0 : i32
    %c0_i32_0 = arith.constant 0 : i32
    %c0_i32_1 = arith.constant 0 : i32
    return %c0_i32, %c0_i32_0 : i32, i32
  }
  func.func @transform_4(%arg0: i32) -> (i32, i32) {
    %c0_i32 = arith.constant 0 : i32
    %c0_i32_0 = arith.constant 0 : i32
    return %arg0, %c0_i32 : i32, i32
  }
}

module attributes {stable_mosaic.version = 14 : i64} {
  func.func @body(%arg0: i32, %arg1: memref<2x1000x128xf32, #tpu.memory_space<vmem>>, %arg2: memref<1000x128xf32, #tpu.memory_space<vmem>>, %arg3: memref<1x128xf32, #tpu.memory_space<vmem>>, %arg4: memref<1000x128xf32, #tpu.memory_space<vmem>>) attributes {dimension_semantics = [#tpu.dimension_semantics<arbitrary>], iteration_bounds = array<i64: 10>, scalar_prefetch = 0 : i64, scratch_operands = 0 : i64, tpu.core_type = #tpu.core_type<tc>, window_params = [{transform_indices = @transform_0, window_bounds = array<i64: 2, 1000, 128>}, {transform_indices = @transform_1, window_bounds = array<i64: 1000, 128>}, {pipeline_mode = #tpu.pipeline_mode<synchronous>, transform_indices = @transform_2, window_bounds = array<i64: 1, 128>}, {transform_indices = @transform_3, window_bounds = array<i64: 1000, 128>}]} {
    %get3A = arith.constant 0 : index
    %get3A_0 = arith.constant 0 : index
    %get3A_1 = arith.constant 0 : index
    %get3A_2 = vector.load %arg1[%get3A, %get3A_0, %get3A_1] : memref<2x1000x128xf32, #tpu.memory_space<vmem>>, vector<1x1000x128xf32>
    %get3A_3 = vector.shape_cast %get3A_2 : vector<1x1000x128xf32> to vector<1000x128xf32>
    %get3A_4 = arith.constant 1 : index
    %get3A_5 = arith.constant 0 : index
    %get3A_6 = arith.constant 0 : index
    %get3A_7 = vector.load %arg1[%get3A_4, %get3A_5, %get3A_6] : memref<2x1000x128xf32, #tpu.memory_space<vmem>>, vector<1x1000x128xf32>
    %get3A_8 = vector.shape_cast %get3A_7 : vector<1x1000x128xf32> to vector<1000x128xf32>
    %add3A = arith.addf %get3A_3, %get3A_8 : vector<1000x128xf32>
    %get3A_9 = arith.constant 0 : index
    %get3A_10 = arith.constant 0 : index
    %get3A_11 = vector.load %arg2[%get3A_9, %get3A_10] : memref<1000x128xf32, #tpu.memory_space<vmem>>, vector<1000x1xf32>
    %mul3A = vector.broadcast %get3A_11 : vector<1000x1xf32> to vector<1000x128xf32>
    %mul3A_12 = arith.mulf %add3A, %mul3A : vector<1000x128xf32>
    %get3A_13 = arith.constant 0 : index
    %get3A_14 = arith.constant 0 : index
    %get3A_15 = vector.load %arg3[%get3A_13, %get3A_14] : memref<1x128xf32, #tpu.memory_space<vmem>>, vector<1x128xf32>
    %add3A_16 = vector.broadcast %get3A_15 : vector<1x128xf32> to vector<1000x128xf32>
    %add3A_17 = arith.addf %mul3A_12, %add3A_16 : vector<1000x128xf32>
    %swap3A = arith.constant 0 : index
    %swap3A_18 = arith.constant 0 : index
    %swap3A_19 = vector.load %arg4[%swap3A, %swap3A_18] : memref<1000x128xf32, #tpu.memory_space<vmem>>, vector<1000x128xf32>
    tpu.vector_store %arg4[%swap3A, %swap3A_18], %add3A_17 {strides = array<i32>} : memref<1000x128xf32, #tpu.memory_space<vmem>>, vector<1000x128xf32>,
    return
  }
  func.func @transform_0(%arg0: i32) -> (i32, i32, i32) {
    %c0_i32 = arith.constant 0 : i32
    %c0_i32_0 = arith.constant 0 : i32
    %c0_i32_1 = arith.constant 0 : i32
    return %c0_i32, %arg0, %c0_i32_0 : i32, i32, i32
  }
  func.func @transform_1(%arg0: i32) -> (i32, i32) {
    %c0_i32 = arith.constant 0 : i32
    %c0_i32_0 = arith.constant 0 : i32
    return %arg0, %c0_i32 : i32, i32
  }
  func.func @transform_2(%arg0: i32) -> (i32, i32) {
    %c0_i32 = arith.constant 0 : i32
    %c0_i32_0 = arith.constant 0 : i32
    %c0_i32_1 = arith.constant 0 : i32
    return %c0_i32, %c0_i32_0 : i32, i32
  }
  func.func @transform_3(%arg0: i32) -> (i32, i32) {
    %c0_i32 = arith.constant 0 : i32
    %c0_i32_0 = arith.constant 0 : i32
    return %arg0, %c0_i32 : i32, i32
  }
}

</mosaic_0001>

<sc_bundles>
// kernel: closed_call.20.cloned.1.call-start
scs
__scs_entry_jumppad:
0x0: {  	(pc) =	sbr.rel $0x88, $3  }
0x1: {  	(tag) =	ssettag $0x0;
	lr =	simm.s32 $0x1  }
0x2: {  	[smem:$0x3F9B] =	sst lr;
	_ =	strace $0xD0000000  }
0x3: {  	_ = 	snop  }
0x4: {  	_ = 	snop  }
0x5: {  	_ = 	snop  }
0x6: {  	_ = 	snop  }
0x7: {  	_ = 	snop  }
__scs_overlays_trampoline_lowered:
0x8: {  	[smem:$0x3FAA] =	sst s0  }
0x9: {  	[smem:$0x3FAB] =	sst s1  }
0xa: {  	[smem:$0x3FAC] =	sst s2  }
0xb: {  	[smem:$0x3FAD] =	sst s3  }
0xc: {  	[smem:$0x3FAE] =	sst s4  }
0xd: {  	[smem:$0x3FAF] =	sst s5  }
0xe: {  	[smem:$0x3FB0] =	sst s6  }
0xf: {  	[smem:$0x3FB1] =	sst s7  }
0x10: {  	[smem:$0x3FB2] =	sst s8  }
0x11: {  	[smem:$0x3FB3] =	sst s9;
	s0 =	simm.s32 @!p0 $0x0  }
0x12: {  	s1 =	sld [smem:$0x3F99];
	s0 =	simm.s32 @p0 $0x1  }
0x13: {  	[smem:$0x3FB4] =	sst s0;
	s0 =	simm.s32 @!p1 $0x0  }
0x14: {  	s2 =	sld [smem:$0x3F98];
	s0 =	simm.s32 @p1 $0x1  }
0x15: {  	[smem:$0x3FB5] =	sst s0;
	s0 =	simm.s32 @!p2 $0x0  }
0x16: {  	s3 =	sld [smem:$0x3FDB];
	s0 =	simm.s32 @p2 $0x1  }
0x17: {  	s4 =	simm.s32 $0x1BF5;
	[smem:$0x3FB7] =	sst s0  }
0x18: {  	s0 =	sld [smem:$0x3F9A];
	_ =	swait.ge [sflag:s4], $0x0  }
0x19: {  	s7 =	sld [smem:$0x3F9B]  }
0x1a: {  	s8 =	sadd.s32 $0xFFFFE003, lr  }
0x1b: {  	s9 =	sadd.s32 $0xFFFFFEF7, lr;
	s5 =	simm.s32 $0xFFFFFFFF;
	p2 =	slt.u32 s8, $0xFFFFF086  }
0x1c: {  	p1 =	slt.u32 s9, $0xF7A;
	s5 =	simm.s32 @!p2 $0x0  }
0x1d: {  	s5 =	simm.s32 @p1 $0x1;
	p0 =	seq.s32 s7, s2  }
0x1e: {  	s7 =	smul.u32 @!p0 $0xF7A, s2;
	p2 =	seq.s32 @!p0 s5, $0x0  }
0x1f: {  	s9 =	smul.u32 $0xF7A, s1;
	s8 =	simm.s32 @!p0 $0x1BF5;
	p2 =	por !p2, p0  }
0x20: {  	[sflag:s8] =	ssyncset.s32 @!p0 $0xFFFFF086;
	s6 =	sadd.s32 @!p0 s3, s7;
	s7 =	simm.s32 @!p0 $0x108  }
0x21: {  	s3 =	sadd.s32 s3, s9;
	s6 =	sadd.s32 @!p0 $0x88, s6;
	s7 =	simm.s32 @p2 $0x1082  }
0x22: {  	[simem:s7], [sflag:s8] =	dma.local @!p0 [hbm:s6], $0xF7A  }
0x23: {  	s9 =	sor.u32 $0xD0000000, s2;
	s6 =	simm.s32 $0x108;
	_ =	swait.ge @!p0 [sflag:s8], $0x0  }
0x24: {  	s3 =	sadd.s32 $0x88, s3;
	s6 =	simm.s32 @!p1 $0x1082;
	[sflag:s4] =	ssyncset.s32 $0xFFFFF086  }
0x25: {  	[simem:s6], [sflag:s4] =	dma.local [hbm:s3], $0xF7A  }
0x26: {  	[smem:$0x3F9B] =	sst s1;
	(tag) =	ssettag s2;
	_ =	strace s9  }
0x27: {  	s1 =	sld [smem:$0x3FAB]  }
0x28: {  	s2 =	sld [smem:$0x3FAC]  }
0x29: {  	s4 =	sld [smem:$0x3FAE]  }
0x2a: {  	p0 =	seq.s32 s5, $0x0;
	s5 =	sld [smem:$0x3FAF]  }
0x2b: {  	s6 =	sld [smem:$0x3FB0]  }
0x2c: {  	s7 =	sld [smem:$0x3FB1]  }
0x2d: {  	s3 =	simm.s32 $0x108;
	s8 =	sld [smem:$0x3FB2]  }
0x2e: {  	s3 =	simm.s32 @!p0 $0x1082;
	s9 =	sld [smem:$0x3FB3]  }
0x2f: {  	lr =	sadd.s32 s0, s3;
	s0 =	sld [smem:$0x3FAA]  }
0x30: {  	s3 =	sld [smem:$0x3FAD]  }
0x31: {  	[smem:$0x3FB6] =	sst s10  }
0x32: {  	s10 =	sld [smem:$0x3FB4];
	_ =	sdelay $0x3  }
0x33: {  	p0 =	seq.s32 s10, $0x1;
	s10 =	sld [smem:$0x3FB6];
	_ =	sdelay $0x3  }
0x34: {  	[smem:$0x3FB6] =	sst s10  }
0x35: {  	s10 =	sld [smem:$0x3FB5];
	_ =	sdelay $0x3  }
0x36: {  	p1 =	seq.s32 s10, $0x1;
	s10 =	sld [smem:$0x3FB6];
	_ =	sdelay $0x3  }
0x37: {  	[smem:$0x3FB6] =	sst s10  }
0x38: {  	s10 =	sld [smem:$0x3FB7]  }
0x39: {  	_ = 	snop;
	(pc) =	sbr.ind lr, $3  }
0x3a: {  	_ = 	snop  }
0x3b: {  	_ = 	snop  }
0x3c: {  	p2 =	seq.s32 s10, $0x1;
	s10 =	sld [smem:$0x3FB6]  }
0x3d: {  	_ =	shalt  }
0x3e: {  	_ =	shalt  }
0x3f: {  	_ =	shalt  }
0x40: {  	_ =	shalt  }
0x41: {  	_ =	shalt  }
0x42: {  	_ =	shalt  }
0x43: {  	_ =	shalt  }
0x44: {  	_ =	shalt  }
0x45: {  	_ =	shalt  }
0x46: {  	_ =	shalt  }
0x47: {  	_ =	shalt  }
0x48: {  	_ =	shalt  }
0x49: {  	_ =	shalt  }
0x4a: {  	_ =	shalt  }
0x4b: {  	_ =	shalt  }
0x4c: {  	_ =	shalt  }
0x4d: {  	_ =	shalt  }
0x4e: {  	_ =	shalt  }
0x4f: {  	_ =	shalt  }
0x50: {  	_ =	shalt  }
0x51: {  	_ =	shalt  }
0x52: {  	_ =	shalt  }
0x53: {  	_ =	shalt  }
0x54: {  	_ =	shalt  }
0x55: {  	_ =	shalt  }
0x56: {  	_ =	shalt  }
0x57: {  	_ =	shalt  }
0x58: {  	_ =	shalt  }
0x59: {  	_ =	shalt  }
0x5a: {  	_ =	shalt  }
0x5b: {  	_ =	shalt  }
0x5c: {  	_ =	shalt  }
0x5d: {  	_ =	shalt  }
0x5e: {  	_ =	shalt  }
0x5f: {  	_ =	shalt  }
0x60: {  	_ =	shalt  }
0x61: {  	_ =	shalt  }
0x62: {  	_ =	shalt  }
0x63: {  	_ =	shalt  }
0x64: {  	_ =	shalt  }
0x65: {  	_ =	shalt  }
0x66: {  	_ =	shalt  }
0x67: {  	_ =	shalt  }
0x68: {  	_ =	shalt  }
0x69: {  	_ =	shalt  }
0x6a: {  	_ =	shalt  }
0x6b: {  	_ =	shalt  }
0x6c: {  	_ =	shalt  }
0x6d: {  	_ =	shalt  }
0x6e: {  	_ =	shalt  }
0x6f: {  	_ =	shalt  }
0x70: {  	_ =	shalt  }
0x71: {  	_ =	shalt  }
0x72: {  	_ =	shalt  }
0x73: {  	_ =	shalt  }
0x74: {  	_ =	shalt  }
0x75: {  	_ =	shalt  }
0x76: {  	_ =	shalt  }
0x77: {  	_ =	shalt  }
0x78: {  	_ =	shalt  }
0x79: {  	_ =	shalt  }
0x7a: {  	_ =	shalt  }
0x7b: {  	_ =	shalt  }
0x7c: {  	_ =	shalt  }
0x7d: {  	_ =	shalt  }
0x7e: {  	_ =	shalt  }
0x7f: {  	_ =	shalt  }
0x80: {  	_ =	shalt  }
0x81: {  	_ =	shalt  }
0x82: {  	_ =	shalt  }
0x83: {  	_ =	shalt  }
0x84: {  	_ =	shalt  }
0x85: {  	_ =	shalt  }
0x86: {  	_ =	shalt  }
0x87: {  	_ =	shalt  }
.Lfunc_end0:
.L_simem_size_0:
called_computation_lowered:
.L_overlay_start_0:
0x88: {  	s2 =	sld [smem:$0x3FD9]  }
0x89: {  	s3 =	sld [smem:$0x3FFE];
	_ =	sdelay $0x1  }
0x8a: {  	s1 =	srdreg.scid  }
0x8b: {  	s0 =	sand.u32 $0x1, s1  }
0x8c: {  	s17 =	sshll.u32 s0, $0xA;
	s2 =	sadd.s32 s3, s2  }
0x8d: {  	s2 =	sadd.s32 s2, s17  }
0x8e: {  	[smem:$0x3FC2] =	sst s2  }
0x8f: {  	_ = 	snop  }
0x90: {  	s2 =	sld [smem:$0x3FD0];
	(tm) =	ssettm $0x1  }
0x91: {  	s18 =	sld [smem:$0x3FFB];
	_ =	sdelay $0x3  }
0x92: {  	_ =	strace s18  }
0x93: {  	s3 =	sld [smem:$0x3FFC];
	_ =	sdelay $0x3  }
0x94: {  	_ =	strace s3  }
0x95: {  	s3 =	sld [smem:$0x3FFD];
	_ =	sdelay $0x3  }
0x96: {  	_ =	strace s3  }
0x97: {  	_ =	strace $0x8FFFFFFF  }
0x98: {  	s19 =	sld [smem:$0x3FDB];
	_ =	sdelay $0x1  }
0x99: {  	s4 =	simm.s32 $_scs_section_size  }
0x9a: {  	s5 =	simm.s32 $_size__tile_overlayer_lowered;
	s6 =	simm.s32 $_tile_overlayer_lowered  }
0x9b: {  	s22 =	simm.s32 $0x1BFF;
	s21 =	sshll.u32 s6, $0x1;
	s3 =	sadd.s32 s4, s19  }
0x9c: {  	s7 =	simm.s32 $0x0;
	s20 =	sshll.u32 s5, $0x1;
	s5 =	sadd.s32 s21, s3  }
0x9d: {  	[timem:s7], [sflag:s22] =	dma.local [hbm:s5], s20  }
0x9e: {  	_ =	swait.ge [sflag:s22], s20  }
0x9f: {  	s4 =	ssub.s32 $0x0, s20;
	[sflag:s22] =	ssyncset.done $0x0  }
0xa0: {  	[sflag:s22] =	ssyncadd.s32 s4;
	_ =	sdelay $0x1  }
0xa1: {  	s23 =	simm.s32 $0x1B8B  }
0xa2: {  	_ =	swait.ge [sflag:s23], $0x1  }
0xa3: {  	[sflag:s23] =	ssyncset.done $0x0  }
0xa4: {  	s25 =	simm.s32 $0x1B8E;
	s24 =	sld [smem:$0x3FFE];
	[sflag:s23] =	ssyncadd.s32 $0xFFFFFFFF  }
0xa5: {  	s26 =	simm.s32 $execute0_lowered;
	[smem:$0x3FD2] =	sst s25  }
0xa6: {  	s5 =	sshll.u32 s26, $0x1;
	_ =	strace $0x80000046;
	[dreg:$0x1] =	wrdreg $0xFFFFFFFF  }
0xa7: {  	s28 =	simm.s32 $_size_execute0_lowered;
	s3 =	sadd.s32 s3, s5;
	[dreg:$0x0] =	wrdreg $0x0  }
0xa8: {  	s5 =	sshll.u32 s28, $0x1;
	[dreg:$0x2] =	wrdreg s3  }
0xa9: {  	[dreg:$0x3] =	wrdreg s5  }
0xaa: {  	[dreg:$0x4] =	wrdreg $0xC0  }
0xab: {  	_ =	task [dreg:s7], $0x5FFFF  }
0xac: {  	[dreg:$0x1] =	wrdreg $0xFFFFFFFF  }
0xad: {  	[dreg:$0x0] =	wrdreg $0x60  }
0xae: {  	[dreg:$0x2] =	wrdreg s24  }
0xaf: {  	[dreg:$0x3] =	wrdreg s2  }
0xb0: {  	[dreg:$0x4] =	wrdreg $0x41000  }
0xb1: {  	[dreg:$0x5] =	wrdreg $0x9  }
0xb2: {  	_ =	task.clear_ibuf [dreg:s7], $0x6FFFF;
	_ =	strace $0x90000046  }
0xb3: {  	s29 =	simm.s32 $0x9;
	_ =	strace $0x80000048  }
0xb4: {  	_ =	swait.ge [sflag:s29], $0x1  }
0xb5: {  	[sflag:s29] =	ssyncadd.s32 $0xFFFFFFFF  }
0xb6: {  	_ =	strace $0x90000048  }
0xb7: {  	_ =	sfence  }
0xb8: {  	s30 =	sld [smem:$0x0];
	_ =	sdelay $0x2  }
0xb9: {  	s31 =	sshll.u32 s1, $0xD;
	s1 =	sshrl.u32 s1, $0x2  }
0xba: {  	s3 =	sand.u32 $0x4000, s31;
	s1 =	sadd.s32 s1, s30  }
0xbb: {  	s0 =	sor.u32 s3, s0;
	s1 =	sshll.u32 s1, $0x11  }
0xbc: {  	s0 =	sor.u32 s1, s0  }
0xbd: {  	s0 =	sadd.s32 $0x8F2B, s0  }
0xbe: {  	[sflag:s0] =	ssyncadd.remote.s32 $0x1  }
0xbf: {  	_ =	sfence.sel $0xFFFF  }
0xc0: {  	[dreg:$0x0] =	wrdreg $0xFFFFFFFF;
	(pc) =	sbr.abs _section_cstart, $3  }
0xc1: {  	[dreg:$0x1] =	wrdreg $0xFFFFFFFF  }
0xc2: {  	_ =	task.clear_ibuf [dreg:s7], $0x2FFFF;
	_ =	strace $0x9FFFFFFF  }
0xc3: {  	(tm) =	ssettm $0x7FFFFFFF  }
tec
execute0_lowered:
.L_overlay_start_1:
0x0: {  	(tag) =	ssettag $0x1  }
0x1: {  	s8 =	rddreg [dreg:$0x0]  }
0x2: {  	s1 =	rddreg [dreg:$0x1]  }
0x3: {  	s2 =	rddreg [dreg:$0x2]  }
0x4: {  	s0 =	rddreg [dreg:$0x3]  }
0x5: {  	s4 =	simm.s32 $0x0;
	s6 =	srdreg.scid;
	s3 =	stileid.u32  }
0x6: {  	[smem:$0x7FF] =	sst s4;
	s14 =	smul.u32 $0x278, s3  }
0x7: {  	s5 =	sadd.s32 $0x33600, s8;
	s17 =	sand.u32 $0x1, s6;
	s10 =	smul.u32 $0x4F000, s3  }
0x8: {  	s6 =	sadd.s32 $0x29600, s8;
	s7 =	sadd.s32 $0x3D600, s8;
	s31 =	smul.u32 $0x500, s3  }
0x9: {  	s18 =	sadd.s32 $0x3DE00, s8;
	s25 =	sshll.u32 s3, $0x6;
	s22 =	smul.u32 $0x2780, s17  }
0xa: {  	_ =	strace $0x80000047;
	s9 =	ssub.s32 $0x2, s17;
	s28 =	smul.u32 $0x5000, s17  }
0xb: {  	s23 =	sshrl.u32 s9, $0x1;
	s24 =	sshrl.u32 s10, $0x2;
	s15 =	sadd.s32 $0x80, s14  }
0xc: {  	s16 =	sadd.s32 $0x100, s14;
	s20 =	sadd.s32 $0x180, s14;
	s21 =	sadd.s32 $0x200, s14  }
0xd: {  	s19 =	ssub.s32 s9, s23;
	s8 =	sadd.s32 s24, s2;
	s26 =	sshll.u32 s15, $0x7  }
0xe: {  	s9 =	sor.u32 $0x1C02, s25;
	s11 =	sshll.u32 s16, $0x7;
	s12 =	sshll.u32 s20, $0x7  }
0xf: {  	s13 =	sshll.u32 s21, $0x7;
	s14 =	sadd.s32 s14, s22;
	s15 =	sadd.s32 s22, s15  }
0x10: {  	s16 =	sadd.s32 s22, s16;
	s20 =	sadd.s32 s22, s20;
	s21 =	sadd.s32 s22, s21  }
0x11: {  	s22 =	simm.s32 $0x80;
	s23 =	simm.s32 $0x100;
	s24 =	simm.s32 $0x1  }
0x12: {  	s25 =	simm.s32 $0x0;
	s10 =	sadd.s32 s26, s2;
	s11 =	sadd.s32 s11, s2  }
0x13: {  	s12 =	sadd.s32 s12, s2;
	s13 =	sadd.s32 s13, s2;
	s14 =	sshll.u32 s14, $0x4  }
0x14: {  	s15 =	sshll.u32 s15, $0x4;
	s16 =	sshll.u32 s16, $0x4;
	s29 =	sshll.u32 s20, $0x4  }
0x15: {  	s30 =	sshll.u32 s21, $0x4;
	s19 =	smax.u32 s19, $0x1;
	s20 =	sadd.s32 s31, s28  }
0x16: {  	s21 =	simm.s32 $0x2;
	s14 =	sadd.s32 s18, s14;
	s15 =	sadd.s32 s18, s15  }
0x17: {  	s16 =	sadd.s32 s18, s16;
	s17 =	sadd.s32 s18, s29;
	s18 =	sadd.s32 s18, s30  }
.LBB2_1:
0x18: {  	s26 =	sshrl.u32 s8, $0x3  }
0x19: {  	[spmem:s26], [sflag:s9] =	dma.local [hbm:s7], $0x800  }
0x1a: {  	_ =	swait.ge [sflag:s21], $0x800  }
0x1b: {  	[sflag:s21] =	ssyncset.done $0x0  }
0x1c: {  	s29 =	sshrl.u32 s10, $0x3;
	[sflag:s21] =	ssyncadd.s32 $0xFFFFF800  }
0x1d: {  	[spmem:s29], [sflag:s9] =	dma.local [hbm:s7], $0x800  }
0x1e: {  	_ =	swait.ge [sflag:s21], $0x800  }
0x1f: {  	[sflag:s21] =	ssyncset.done $0x0  }
0x20: {  	s30 =	sshrl.u32 s11, $0x3;
	[sflag:s21] =	ssyncadd.s32 $0xFFFFF800  }
0x21: {  	[spmem:s30], [sflag:s9] =	dma.local [hbm:s7], $0x800  }
0x22: {  	_ =	swait.ge [sflag:s21], $0x800  }
0x23: {  	[sflag:s21] =	ssyncset.done $0x0  }
0x24: {  	s31 =	sshrl.u32 s12, $0x3;
	[sflag:s21] =	ssyncadd.s32 $0xFFFFF800  }
0x25: {  	[spmem:s31], [sflag:s9] =	dma.local [hbm:s7], $0x800  }
0x26: {  	_ =	swait.ge [sflag:s21], $0x800  }
0x27: {  	[sflag:s21] =	ssyncset.done $0x0  }
0x28: {  	s29 =	sshrl.u32 s13, $0x3;
	[sflag:s21] =	ssyncadd.s32 $0xFFFFF800  }
0x29: {  	[spmem:s29], [sflag:s9] =	dma.local [hbm:s7], $0x780  }
0x2a: {  	s30 =	sadd.s32 $0x0, s20;
	_ =	swait.ge [sflag:s21], $0x780  }
0x2b: {  	s28 =	sand.u32 $0x70, s4;
	s26 =	sand.u32 $0xFFFFF80, s30;
	[sflag:s21] =	ssyncset.done $0x0  }
0x2c: {  	s26 =	sor.u32 s28, s26;
	[sflag:s21] =	ssyncadd.s32 $0xFFFFF880  }
0x2d: {  	s28 =	sadd.s32 s5, s26;
	[bflag:$0x0] =	sbarrier.arrive $0xFFFF  }
0x2e: {  	[tilespmem:s4], [sflag:$0x2] =	stream.linear.gather [hbm4b:s28+s4], $0x80, $0x38;
	[tilespmem:$0x17D00] =	vst v63  }
0x2f: {  	_ =	swait.ge [sflag:s21], $0x80  }
0x30: {  	[sflag:s21] =	ssyncset.done $0x0  }
0x31: {  	s26 =	sadd.s32 s6, s26;
	[sflag:s21] =	ssyncadd.s32 $0xFFFFFF80  }
0x32: {  	[tilespmem:s22], [sflag:$0x2] =	stream.linear.gather [hbm4b:s26+s4], $0x80, $0x38;
	[tilespmem:$0x17D00] =	vst v63  }
0x33: {  	_ =	swait.ge [sflag:s21], $0x80  }
0x34: {  	[sflag:s21] =	ssyncset.done $0x0  }
0x35: {  	[sflag:s21] =	ssyncadd.s32 $0xFFFFFF80  }
0x36: {  	[tilespmem:s23], [sflag:$0x1] =	stream.indirect.gather [hbm4b:s1+s22], $0x80, s4, s22, $0xb8;
	[tilespmem:$0x17D00] =	vst v63  }
0x37: {  	_ =	swait.ge [sflag:s24], $0x4000  }
0x38: {  	[sflag:s24] =	ssyncset.done $0x0  }
0x39: {  	s31 =	simm.s32 $0x10;
	s28 =	sadd.s32 $0x10, s20;
	[sflag:s24] =	ssyncadd.s32 $0xFFFFC000  }
0x3a: {  	[spmem:s2] =	stream.indirect.scatter.add.f32 [tilespmem:s23], [sflag:$0x2], $0x80, s22, s22, $0xb8;
	[tilespmem:$0x17D00] =	vst v63  }
0x3b: {  	s29 =	sand.u32 $0xFFFFF80, s28;
	s26 =	sand.u32 $0x70, s31;
	_ =	swait.ge [sflag:s21], $0x4000  }
0x3c: {  	s28 =	simm.s32 $0x20;
	s26 =	sor.u32 s26, s29;
	[sflag:s21] =	ssyncset.done $0x0  }
.LBB2_2:
0x3d: {  	s29 =	sadd.s32 s5, s26  }
0x3e: {  	[sflag:s21] =	ssyncadd.s32 $0xFFFFC000;
	s30 =	smov.u32 s28;
	s31 =	sadd.s32 $0x10, s28  }
0x3f: {  	[tilespmem:s4], [sflag:$0x2] =	stream.linear.gather [hbm4b:s29+s4], $0x80, $0x38;
	[tilespmem:$0x17D00] =	vst v63  }
0x40: {  	p0 =	sne.s32 s28, $0x4F0;
	_ =	swait.ge [sflag:s21], $0x80  }
0x41: {  	[sflag:s21] =	ssyncset.done $0x0  }
0x42: {  	s26 =	sadd.s32 s6, s26;
	[sflag:s21] =	ssyncadd.s32 $0xFFFFFF80  }
0x43: {  	[tilespmem:s22], [sflag:$0x2] =	stream.linear.gather [hbm4b:s26+s4], $0x80, $0x38;
	[tilespmem:$0x17D00] =	vst v63  }
0x44: {  	_ =	swait.ge [sflag:s21], $0x80  }
0x45: {  	[sflag:s21] =	ssyncset.done $0x0  }
0x46: {  	[sflag:s21] =	ssyncadd.s32 $0xFFFFFF80  }
0x47: {  	[tilespmem:s23], [sflag:$0x1] =	stream.indirect.gather [hbm4b:s1+s22], $0x80, s4, s22, $0xb8;
	[tilespmem:$0x17D00] =	vst v63  }
0x48: {  	_ =	swait.ge [sflag:s24], $0x4000  }
.Ltmp0:
0x49: {  	[sflag:s24] =	ssyncset.done $0x0;
	(pc) =	sbr.rel @p0 .LBB2_2-.Ltmp0, $4  }
0x4a: {  	s26 =	sadd.s32 s30, s20;
	[sflag:s24] =	ssyncadd.s32 $0xFFFFC000  }
0x4b: {  	[spmem:s2] =	stream.indirect.scatter.add.f32 [tilespmem:s23], [sflag:$0x2], $0x80, s22, s22, $0xb8;
	[tilespmem:$0x17D00] =	vst v63  }
0x4c: {  	s28 =	sand.u32 $0x70, s30;
	s26 =	sand.u32 $0xFFFFF80, s26;
	_ =	swait.ge [sflag:s21], $0x4000  }
0x4d: {  	s26 =	sor.u32 s28, s26;
	s28 =	smov.u32 s31;
	[sflag:s21] =	ssyncset.done $0x0  }
0x4e: {  	s28 =	sadd.s32 s5, s26;
	[sflag:s21] =	ssyncadd.s32 $0xFFFFC000  }
0x4f: {  	[tilespmem:s4], [sflag:$0x2] =	stream.linear.gather [hbm4b:s28+s4], $0x80, $0x38;
	[tilespmem:$0x17D00] =	vst v63  }
0x50: {  	_ =	swait.ge [sflag:s21], $0x80  }
0x51: {  	[sflag:s21] =	ssyncset.done $0x0  }
0x52: {  	s31 =	sadd.s32 s6, s26;
	[sflag:s21] =	ssyncadd.s32 $0xFFFFFF80  }
0x53: {  	[tilespmem:s22], [sflag:$0x2] =	stream.linear.gather [hbm4b:s31+s4], $0x80, $0x38;
	[tilespmem:$0x17D00] =	vst v63  }
0x54: {  	_ =	swait.ge [sflag:s21], $0x80  }
0x55: {  	[sflag:s21] =	ssyncset.done $0x0  }
0x56: {  	[sflag:s21] =	ssyncadd.s32 $0xFFFFFF80  }
0x57: {  	[tilespmem:s23], [sflag:$0x1] =	stream.indirect.gather [hbm4b:s1+s22], $0x80, s4, s22, $0xb8;
	[tilespmem:$0x17D00] =	vst v63  }
0x58: {  	_ =	swait.ge [sflag:s24], $0x4000  }
0x59: {  	[sflag:s24] =	ssyncset.done $0x0  }
0x5a: {  	[sflag:s24] =	ssyncadd.s32 $0xFFFFC000  }
0x5b: {  	[spmem:s2] =	stream.indirect.scatter.add.f32 [tilespmem:s23], [sflag:$0x2], $0x80, s22, s22, $0xb8;
	[tilespmem:$0x17D00] =	vst v63  }
0x5c: {  	_ =	swait.ge [sflag:s21], $0x4000  }
0x5d: {  	[sflag:s21] =	ssyncset.done $0x0  }
0x5e: {  	[sflag:s21] =	ssyncadd.s32 $0xFFFFC000  }
0x5f: {  	[bflag:$0x0] =	sbarrier.arrive $0xFFFF  }
0x60: {  	[tilespmem:s23], [sflag:$0x2] =	stream.linear.gather [spmem:s8], $0x4000, $0x38;
	[tilespmem:$0x17D00] =	vst v63  }
0x61: {  	_ =	swait.ge [sflag:s21], $0x4000  }
0x62: {  	[sflag:s21] =	ssyncset.done $0x0  }
0x63: {  	[sflag:s21] =	ssyncadd.s32 $0xFFFFC000  }
0x64: {  	[hbm4b:s14+s4] =	stream.linear.scatter [tilespmem:s23], [sflag:$0x2], $0x4000, $0x38;
	[tilespmem:$0x17D00] =	vst v63  }
0x65: {  	_ =	swait.ge [sflag:s21], $0x4000  }
0x66: {  	[sflag:s21] =	ssyncset.done $0x0  }
0x67: {  	[sflag:s21] =	ssyncadd.s32 $0xFFFFC000  }
0x68: {  	[tilespmem:s23], [sflag:$0x2] =	stream.linear.gather [spmem:s10], $0x4000, $0x38;
	[tilespmem:$0x17D00] =	vst v63  }
0x69: {  	_ =	swait.ge [sflag:s21], $0x4000  }
0x6a: {  	[sflag:s21] =	ssyncset.done $0x0  }
0x6b: {  	[sflag:s21] =	ssyncadd.s32 $0xFFFFC000  }
0x6c: {  	[hbm4b:s15+s4] =	stream.linear.scatter [tilespmem:s23], [sflag:$0x2], $0x4000, $0x38;
	[tilespmem:$0x17D00] =	vst v63  }
0x6d: {  	_ =	swait.ge [sflag:s21], $0x4000  }
0x6e: {  	[sflag:s21] =	ssyncset.done $0x0  }
0x6f: {  	[sflag:s21] =	ssyncadd.s32 $0xFFFFC000  }
0x70: {  	[tilespmem:s23], [sflag:$0x2] =	stream.linear.gather [spmem:s11], $0x4000, $0x38;
	[tilespmem:$0x17D00] =	vst v63  }
0x71: {  	_ =	swait.ge [sflag:s21], $0x4000  }
0x72: {  	[sflag:s21] =	ssyncset.done $0x0  }
0x73: {  	[sflag:s21] =	ssyncadd.s32 $0xFFFFC000  }
0x74: {  	[hbm4b:s16+s4] =	stream.linear.scatter [tilespmem:s23], [sflag:$0x2], $0x4000, $0x38;
	[tilespmem:$0x17D00] =	vst v63  }
0x75: {  	_ =	swait.ge [sflag:s21], $0x4000  }
0x76: {  	[sflag:s21] =	ssyncset.done $0x0  }
0x77: {  	[sflag:s21] =	ssyncadd.s32 $0xFFFFC000  }
0x78: {  	[tilespmem:s23], [sflag:$0x2] =	stream.linear.gather [spmem:s12], $0x4000, $0x38;
	[tilespmem:$0x17D00] =	vst v63  }
0x79: {  	_ =	swait.ge [sflag:s21], $0x4000  }
0x7a: {  	[sflag:s21] =	ssyncset.done $0x0  }
0x7b: {  	[sflag:s21] =	ssyncadd.s32 $0xFFFFC000  }
0x7c: {  	[hbm4b:s17+s4] =	stream.linear.scatter [tilespmem:s23], [sflag:$0x2], $0x4000, $0x38;
	[tilespmem:$0x17D00] =	vst v63  }
0x7d: {  	_ =	swait.ge [sflag:s21], $0x4000  }
0x7e: {  	[sflag:s21] =	ssyncset.done $0x0  }
0x7f: {  	[sflag:s21] =	ssyncadd.s32 $0xFFFFC000  }
0x80: {  	[tilespmem:s23], [sflag:$0x2] =	stream.linear.gather [spmem:s13], $0x3C00, $0x38;
	[tilespmem:$0x17D00] =	vst v63  }
0x81: {  	s25 =	sadd.s32 $0x1, s25;
	_ =	swait.ge [sflag:s21], $0x3C00  }
0x82: {  	p0 =	sne.s32 s25, s19;
	[sflag:s21] =	ssyncset.done $0x0  }
.Ltmp1:
0x83: {  	[sflag:s21] =	ssyncadd.s32 $0xFFFFC400;
	(pc) =	sbr.rel @p0 .LBB2_1-.Ltmp1, $4  }
0x84: {  	[hbm4b:s18+s4] =	stream.linear.scatter [tilespmem:s23], [sflag:$0x2], $0x3C00, $0x38;
	[tilespmem:$0x17D00] =	vst v63  }
0x85: {  	_ =	swait.ge [sflag:s21], $0x3C00  }
0x86: {  	[sflag:s21] =	ssyncset.done $0x0  }
0x87: {  	[sflag:s21] =	ssyncadd.s32 $0xFFFFC400  }
0x88: {  	_ =	sfence.sel $0x180000  }
0x89: {  	[bflag:$0x0] =	sbarrier.arrive $0xFFFF  }
0x8a: {  	p0 =	sne.s32 s3, $0x0;
	_ =	strace $0x90000047  }
0x8b: {  	s0 =	sadd.s32 @!p0 $0x100000, s0;
	[bflag:$0x2] =	sbarrier.arrive $0xFFFF  }
0x8c: {  	[sflag:s0] =	ssyncadd.tile.s32 @!p0 $0x1;
	_ =	shalt  }
.Lfunc_end2:
_tile_overlayer_lowered:
.L_overlay_start_2:
0x8d: {  	(tag) =	ssettag $0x2  }
0x8e: {  	s0 =	rddreg [dreg:$0x0];
	s2 =	stileid.u32  }
0x8f: {  	s1 =	rddreg [dreg:$0x1];
	p0 =	sne.s32 s2, $0x0  }
0x90: {  	s3 =	rddreg [dreg:$0x2];
	[bflag:$0x3] =	sbarrier.arrive $0xFFFF;
	s2 =	simm.s32 @!p0 $0x1C02  }
0x91: {  	[timem:s3], [sflag:s2] =	dma.local @!p0 [hbm:s0], s1  }
0x92: {  	s0 =	simm.s32 @!p0 $0x2  }
0x93: {  	_ =	swait.ge @!p0 [sflag:s0], s1  }
0x94: {  	s1 =	ssub.s32 @!p0 $0x0, s1;
	[sflag:s0] =	ssyncset.done @!p0 $0x0  }
0x95: {  	[sflag:s0] =	ssyncadd.s32 @!p0 s1  }
0x96: {  	[bflag:$0x3] =	sbarrier.arrive $0xFFFF  }
0x97: {  	_ =	shalt  }

</sc_bundles>
